<compile_context>
chip_gen: v7x
topology: tpu7x:2x2x1
jax: 0.10.2.dev20260603
libtpu: 0.0.44.dev20260713+nightly
codegen_flags: <defaults>
</compile_context>

<pallas_src>
import functools

import jax
import jax.numpy as jnp
from jax import lax
from jax.experimental import pallas as pl
from jax.experimental.pallas import tpu as pltpu
from jax.experimental.pallas import tpu_sc as plsc

GAMMA = 0.01
ALPHA = 1.0

CHUNK = 200
NBUF = 4


def _tc_body(x_ref, u_ref, zmu_ref, z_ref):
    x = x_ref[...]
    zmu = zmu_ref[...]
    diff = x - zmu
    kern = ALPHA * jnp.exp(-GAMMA * jnp.sum(diff * diff, axis=1,
                                            keepdims=True))
    u = u_ref[...]
    proj = jnp.dot(jnp.dot(diff, u, preferred_element_type=jnp.float32),
                   u.T, preferred_element_type=jnp.float32) + zmu
    z_ref[...] = proj * kern + x * (1.0 - kern)


def _compute_z(X_all, U, z_mu_local):
    n, d = X_all.shape
    k = U.shape[1]
    return pl.pallas_call(
        _tc_body,
        grid=(1,),
        in_specs=[
            pl.BlockSpec((k, d), lambda i: (0, 0)),
            pl.BlockSpec((d, k), lambda i: (0, 0)),
            pl.BlockSpec((1, d), lambda i: (0, 0)),
        ],
        out_specs=pl.BlockSpec((k, d), lambda i: (0, 0)),
        out_shape=jax.ShapeDtypeStruct((k, d), jnp.float32),
    )(X_all, U, z_mu_local)


def _sc_copy(X_all, Z):
    n, d = X_all.shape
    k = Z.shape[0]
    info = plsc.get_sparse_core_info()
    nw = info.num_cores * info.num_subcores
    nchunks = n // CHUNK
    zfull = k // CHUNK
    zrem = k - zfull * CHUNK
    mesh = plsc.VectorSubcoreMesh(core_axis_name="c", subcore_axis_name="s")

    @functools.partial(
        pl.kernel, mesh=mesh,
        out_type=jax.ShapeDtypeStruct((n, d), jnp.float32),
        scratch_types=[
            pltpu.VMEM((NBUF, CHUNK, d), jnp.float32),
            pltpu.SemaphoreType.DMA((NBUF,)),
            pltpu.SemaphoreType.DMA((NBUF,)),
        ],
    )
    def sc_kernel(x_hbm, z_hbm, o_hbm, buf, sem_in, sem_out):
        wid = lax.axis_index("s") * info.num_cores + lax.axis_index("c")
        jcount = (nchunks - wid + nw - 1) // nw

        def row_of(j):
            return (wid + j * nw) * CHUNK

        def in_cp(j, b):
            return pltpu.make_async_copy(
                x_hbm.at[pl.ds(row_of(j), CHUNK)], buf.at[b], sem_in.at[b])

        def out_cp(j, b):
            return pltpu.make_async_copy(
                buf.at[b], o_hbm.at[pl.ds(row_of(j), CHUNK)], sem_out.at[b])

        def bslot(j):
            return lax.rem(j, NBUF)

        @pl.when(wid < zfull)
        def _first_z():
            pltpu.make_async_copy(
                z_hbm.at[pl.ds(wid * CHUNK, CHUNK)], buf.at[0],
                sem_in.at[0]).start()

        @pl.when(wid == zfull)
        def _first_zx():
            pltpu.make_async_copy(
                z_hbm.at[pl.ds(zfull * CHUNK, zrem)],
                buf.at[0, pl.ds(0, zrem)], sem_in.at[0]).start()
            pltpu.make_async_copy(
                x_hbm.at[pl.ds(k, CHUNK - zrem)],
                buf.at[0, pl.ds(zrem, CHUNK - zrem)], sem_in.at[0]).start()

        @pl.when(wid > zfull)
        def _first_x():
            in_cp(0, 0).start()

        for jj in range(1, NBUF - 1):
            @pl.when(jcount > jj)
            def _prime(jj=jj):
                in_cp(jj, jj).start()

        def body(j, carry):
            nxt = j + NBUF - 1

            @pl.when(nxt < jcount)
            def _():
                @pl.when(j >= 1)
                def _():
                    out_cp(j - 1, bslot(j - 1)).wait()

                in_cp(nxt, bslot(nxt)).start()

            in_cp(j, bslot(j)).wait()
            out_cp(j, bslot(j)).start()
            return carry

        lax.fori_loop(0, jcount, body, 0, unroll=False)

        for t in range(NBUF):
            tail = jcount - NBUF + t

            @pl.when(tail >= 0)
            def _():
                out_cp(tail, bslot(tail)).wait()

    return sc_kernel(X_all, Z)


def kernel(X_all, U, z_mu_local):
    Z = _compute_z(X_all, U, z_mu_local)
    return _sc_copy(X_all, Z)

# --- scband reference (transcript-rebuilt; emitter-appended) ---
"""Pipeline reference for scband-flayer-39633958208175 (READ-ONLY COPY).

The authoritative reference and input builder live on the scoring server;
editing this copy changes nothing except your own understanding.
"""

import jax, jax.numpy as jnp
import numpy as np

N = 500000
D = 128
K = 1024
GAMMA = 0.01
ALPHA = 1.0
Z_MU = 0.0
Z_NORM = 1.0


def setup_inputs(seed: int = 0) -> dict:
    key = jax.random.key(seed)
    k1, k2, k3 = jax.random.split(key, 3)
    X_all = jax.random.normal(k1, (N, D), dtype=jnp.float32)
    U = jax.random.normal(k2, (D, K), dtype=jnp.float32) * 0.05
    z_mu_local = jax.random.normal(k3, (1, D), dtype=jnp.float32)
    return {"X_all": X_all, "U": U, "z_mu_local": z_mu_local}


def reference(X_all, U, z_mu_local):
    k = U.shape[1]
    choice_index = jnp.arange(k)
    # gather selected rows
    X = jnp.take(X_all, choice_index, axis=0)
    diff = X - z_mu_local
    kernel = ALPHA * jnp.exp(-GAMMA * jnp.sum(diff ** 2, axis=1, keepdims=True))
    proj = diff @ U @ U.T + z_mu_local
    Z = proj * kernel + X * (1.0 - kernel)
    # clone + scatter-overwrite selected rows
    Z_all = X_all.at[choice_index].set(Z)
    Z_all = (Z_all - Z_MU) / Z_NORM
    return Z_all

if __name__ == "__main__":
    import jax
    _d = setup_inputs()
    print(jax.jit(kernel)(*tuple(_d.values())))

</pallas_src>

<mosaic_0001>
#map = affine_map<(d0, d1) -> (0, 0)>
module attributes {stable_mosaic.version = 14 : i64} {
  func.func @sc_kernel(%arg0: i32, %arg1: i32, %arg2: memref<500000x128xf32, #tpu.memory_space<hbm>>, %arg3: memref<1024x128xf32, #tpu.memory_space<hbm>>, %arg4: memref<500000x128xf32, #tpu.memory_space<hbm>>, %arg5: memref<4x200x128xf32, #tpu.memory_space<vmem>>, %arg6: memref<4x!tpu.dma_semaphore, #tpu.memory_space<semaphore_mem>>, %arg7: memref<4x!tpu.dma_semaphore, #tpu.memory_space<semaphore_mem>>) attributes {dimension_semantics = [#tpu.dimension_semantics<core_parallel>, #tpu.dimension_semantics<subcore_parallel>], iteration_bounds = array<i64: 2, 16>, scalar_prefetch = 0 : i64, scratch_operands = 3 : i64, tpu.core_type = #tpu.core_type<sc_vector_subcore>, window_params = [{transform_indices = #map}, {transform_indices = #map}, {transform_indices = #map}]} {
    %mul3A = arith.constant 2 : i32
    %mul3A_0 = arith.muli %arg1, %mul3A : i32
    %add3A = arith.addi %mul3A_0, %arg0 : i32
    %sub3A = arith.constant 2500 : i32
    %sub3A_1 = arith.subi %sub3A, %add3A : i32
    %add3A_2 = arith.constant 32 : i32
    %add3A_3 = arith.addi %sub3A_1, %add3A_2 : i32
    %sub3A_4 = arith.constant 1 : i32
    %sub3A_5 = arith.subi %add3A_3, %sub3A_4 : i32
    %jit3A = arith.constant 32 : i32
    %div3A = arith.divsi %sub3A_5, %jit3A : i32
    %sign3A = arith.constant 0 : i32
    %sign3A_6 = arith.cmpi sgt, %sub3A_5, %sign3A : i32
    %sign3A_7 = arith.extui %sign3A_6 : i1 to i32
    %sign3A_8 = arith.constant 0 : i32
    %sign3A_9 = arith.cmpi slt, %sub3A_5, %sign3A_8 : i32
    %sign3A_10 = arith.extui %sign3A_9 : i1 to i32
    %sign3A_11 = arith.subi %sign3A_7, %sign3A_10 : i32
    %sign3A_12 = arith.constant 0 : i32
    %sign3A_13 = arith.cmpi sgt, %jit3A, %sign3A_12 : i32
    %sign3A_14 = arith.extui %sign3A_13 : i1 to i32
    %sign3A_15 = arith.constant 0 : i32
    %sign3A_16 = arith.cmpi slt, %jit3A, %sign3A_15 : i32
    %sign3A_17 = arith.extui %sign3A_16 : i1 to i32
    %sign3A_18 = arith.subi %sign3A_14, %sign3A_17 : i32
    %ne3A = arith.cmpi ne, %sign3A_11, %sign3A_18 : i32
    %rem3A = arith.remsi %sub3A_5, %jit3A : i32
    %ne3A_19 = arith.constant 0 : i32
    %ne3A_20 = arith.cmpi ne, %rem3A, %ne3A_19 : i32
    %and3A = arith.andi %ne3A, %ne3A_20 : i1
    %sub3A_21 = arith.constant 1 : i32
    %sub3A_22 = arith.subi %div3A, %sub3A_21 : i32
    %select_n3A = arith.select %and3A, %sub3A_22, %div3A : i32
    %lt3A = arith.constant 5 : i32
    %lt3A_23 = arith.cmpi slt, %add3A, %lt3A : i32
    %convert_element_type3A = arith.extui %lt3A_23 : i1 to i32
    %cond3A = arith.constant 0 : i32
    %cond3A_24 = arith.cmpi ne, %convert_element_type3A, %cond3A : i32
    scf.if %cond3A_24 {
      %mul3A_87 = arith.constant 200 : i32
      %mul3A_88 = arith.muli %add3A, %mul3A_87 : i32
      %dma_start3A = arith.constant 0 : i32
      %dma_start3A_89 = arith.constant 0 : i32
      %dma_start3A_90 = arith.constant 0 : i32
      %dma_start3A_91 = arith.constant 0 : i32
      %dma_start3A_92 = tpu.memref_slice %arg5[%dma_start3A, %dma_start3A_90, %dma_start3A_91] : memref<4x200x128xf32, #tpu.memory_space<vmem>> -> memref<1x200x128xf32, #tpu.memory_space<vmem>>
      %dma_start3A_93 = tpu.memref_squeeze %dma_start3A_92 : memref<1x200x128xf32, #tpu.memory_space<vmem>> -> memref<200x128xf32, #tpu.memory_space<vmem>>
      %dma_start3A_94 = arith.constant 0 : i32
      %dma_start3A_95 = tpu.memref_slice %arg3[%mul3A_88, %dma_start3A_94] : memref<1024x128xf32, #tpu.memory_space<hbm>> -> memref<200x128xf32, #tpu.memory_space<hbm>>
      %dma_start3A_96 = tpu.memref_slice %arg6[%dma_start3A_89] : memref<4x!tpu.dma_semaphore, #tpu.memory_space<semaphore_mem>> -> memref<1x!tpu.dma_semaphore, #tpu.memory_space<semaphore_mem>>
      %dma_start3A_97 = tpu.memref_squeeze %dma_start3A_96 : memref<1x!tpu.dma_semaphore, #tpu.memory_space<semaphore_mem>> -> memref<!tpu.dma_semaphore, #tpu.memory_space<semaphore_mem>>
      %dma_start3A_98 = arith.constant 0 : i32
      %dma_start3A_99 = arith.constant 0 : i32
      %dma_start3A_100 = tpu.memref_slice %arg5[%dma_start3A, %dma_start3A_98, %dma_start3A_99] : memref<4x200x128xf32, #tpu.memory_space<vmem>> -> memref<1x200x128xf32, #tpu.memory_space<vmem>>
      %dma_start3A_101 = tpu.memref_squeeze %dma_start3A_100 : memref<1x200x128xf32, #tpu.memory_space<vmem>> -> memref<200x128xf32, #tpu.memory_space<vmem>>
      %dma_start3A_102 = arith.constant 0 : i32
      %dma_start3A_103 = tpu.memref_slice %arg3[%mul3A_88, %dma_start3A_102] : memref<1024x128xf32, #tpu.memory_space<hbm>> -> memref<200x128xf32, #tpu.memory_space<hbm>>
      tpu.enqueue_dma source(%dma_start3A_103 : memref<200x128xf32, #tpu.memory_space<hbm>>) target(%dma_start3A_101 : memref<200x128xf32, #tpu.memory_space<vmem>>) target_semaphore(%dma_start3A_97 : memref<!tpu.dma_semaphore, #tpu.memory_space<semaphore_mem>>)
    } else {
    }
    %eq3A = arith.constant 5 : i32
    %eq3A_25 = arith.cmpi eq, %add3A, %eq3A : i32
    %convert_element_type3A_26 = arith.extui %eq3A_25 : i1 to i32
    %cond3A_27 = arith.constant 0 : i32
    %cond3A_28 = arith.cmpi ne, %convert_element_type3A_26, %cond3A_27 : i32
    scf.if %cond3A_28 {
      %dma_start3A = arith.constant 0 : i32
      %dma_start3A_87 = arith.constant 0 : i32
      %dma_start3A_88 = arith.constant 0 : i32
      %dma_start3A_89 = arith.constant 0 : i32
      %dma_start3A_90 = tpu.memref_slice %arg5[%dma_start3A, %dma_start3A_88, %dma_start3A_89] : memref<4x200x128xf32, #tpu.memory_space<vmem>> -> memref<1x24x128xf32, #tpu.memory_space<vmem>>
      %dma_start3A_91 = tpu.memref_squeeze %dma_start3A_90 : memref<1x24x128xf32, #tpu.memory_space<vmem>> -> memref<24x128xf32, #tpu.memory_space<vmem>>
      %dma_start3A_92 = arith.constant 1000 : i32
      %dma_start3A_93 = arith.constant 0 : i32
      %dma_start3A_94 = tpu.memref_slice %arg3[%dma_start3A_92, %dma_start3A_93] : memref<1024x128xf32, #tpu.memory_space<hbm>> -> memref<24x128xf32, #tpu.memory_space<hbm>>
      %dma_start3A_95 = tpu.memref_slice %arg6[%dma_start3A_87] : memref<4x!tpu.dma_semaphore, #tpu.memory_space<semaphore_mem>> -> memref<1x!tpu.dma_semaphore, #tpu.memory_space<semaphore_mem>>
      %dma_start3A_96 = tpu.memref_squeeze %dma_start3A_95 : memref<1x!tpu.dma_semaphore, #tpu.memory_space<semaphore_mem>> -> memref<!tpu.dma_semaphore, #tpu.memory_space<semaphore_mem>>
      %dma_start3A_97 = arith.constant 0 : i32
      %dma_start3A_98 = arith.constant 0 : i32
      %dma_start3A_99 = tpu.memref_slice %arg5[%dma_start3A, %dma_start3A_97, %dma_start3A_98] : memref<4x200x128xf32, #tpu.memory_space<vmem>> -> memref<1x24x128xf32, #tpu.memory_space<vmem>>
      %dma_start3A_100 = tpu.memref_squeeze %dma_start3A_99 : memref<1x24x128xf32, #tpu.memory_space<vmem>> -> memref<24x128xf32, #tpu.memory_space<vmem>>
      %dma_start3A_101 = arith.constant 1000 : i32
      %dma_start3A_102 = arith.constant 0 : i32
      %dma_start3A_103 = tpu.memref_slice %arg3[%dma_start3A_101, %dma_start3A_102] : memref<1024x128xf32, #tpu.memory_space<hbm>> -> memref<24x128xf32, #tpu.memory_space<hbm>>
      tpu.enqueue_dma source(%dma_start3A_103 : memref<24x128xf32, #tpu.memory_space<hbm>>) target(%dma_start3A_100 : memref<24x128xf32, #tpu.memory_space<vmem>>) target_semaphore(%dma_start3A_96 : memref<!tpu.dma_semaphore, #tpu.memory_space<semaphore_mem>>)
      %dma_start3A_104 = arith.constant 0 : i32
      %dma_start3A_105 = arith.constant 0 : i32
      %dma_start3A_106 = arith.constant 24 : i32
      %dma_start3A_107 = arith.constant 0 : i32
      %dma_start3A_108 = tpu.memref_slice %arg5[%dma_start3A_104, %dma_start3A_106, %dma_start3A_107] : memref<4x200x128xf32, #tpu.memory_space<vmem>> -> memref<1x176x128xf32, #tpu.memory_space<vmem>>
      %dma_start3A_109 = tpu.memref_squeeze %dma_start3A_108 : memref<1x176x128xf32, #tpu.memory_space<vmem>> -> memref<176x128xf32, #tpu.memory_space<vmem>>
      %dma_start3A_110 = arith.constant 1024 : i32
      %dma_start3A_111 = arith.constant 0 : i32
      %dma_start3A_112 = tpu.memref_slice %arg2[%dma_start3A_110, %dma_start3A_111] : memref<500000x128xf32, #tpu.memory_space<hbm>> -> memref<176x128xf32, #tpu.memory_space<hbm>>
      %dma_start3A_113 = tpu.memref_slice %arg6[%dma_start3A_105] : memref<4x!tpu.dma_semaphore, #tpu.memory_space<semaphore_mem>> -> memref<1x!tpu.dma_semaphore, #tpu.memory_space<semaphore_mem>>
      %dma_start3A_114 = tpu.memref_squeeze %dma_start3A_113 : memref<1x!tpu.dma_semaphore, #tpu.memory_space<semaphore_mem>> -> memref<!tpu.dma_semaphore, #tpu.memory_space<semaphore_mem>>
      %dma_start3A_115 = arith.constant 24 : i32
      %dma_start3A_116 = arith.constant 0 : i32
      %dma_start3A_117 = tpu.memref_slice %arg5[%dma_start3A_104, %dma_start3A_115, %dma_start3A_116] : memref<4x200x128xf32, #tpu.memory_space<vmem>> -> memref<1x176x128xf32, #tpu.memory_space<vmem>>
      %dma_start3A_118 = tpu.memref_squeeze %dma_start3A_117 : memref<1x176x128xf32, #tpu.memory_space<vmem>> -> memref<176x128xf32, #tpu.memory_space<vmem>>
      %dma_start3A_119 = arith.constant 1024 : i32
      %dma_start3A_120 = arith.constant 0 : i32
      %dma_start3A_121 = tpu.memref_slice %arg2[%dma_start3A_119, %dma_start3A_120] : memref<500000x128xf32, #tpu.memory_space<hbm>> -> memref<176x128xf32, #tpu.memory_space<hbm>>
      tpu.enqueue_dma source(%dma_start3A_121 : memref<176x128xf32, #tpu.memory_space<hbm>>) target(%dma_start3A_118 : memref<176x128xf32, #tpu.memory_space<vmem>>) target_semaphore(%dma_start3A_114 : memref<!tpu.dma_semaphore, #tpu.memory_space<semaphore_mem>>)
    } else {
    }
    %gt3A = arith.constant 5 : i32
    %gt3A_29 = arith.cmpi sgt, %add3A, %gt3A : i32
    %convert_element_type3A_30 = arith.extui %gt3A_29 : i1 to i32
    %cond3A_31 = arith.constant 0 : i32
    %cond3A_32 = arith.cmpi ne, %convert_element_type3A_30, %cond3A_31 : i32
    scf.if %cond3A_32 {
      %add3A_87 = arith.constant 0 : i32
      %add3A_88 = arith.addi %add3A, %add3A_87 : i32
      %mul3A_89 = arith.constant 200 : i32
      %mul3A_90 = arith.muli %add3A_88, %mul3A_89 : i32
      %dma_start3A = arith.constant 0 : i32
      %dma_start3A_91 = arith.constant 0 : i32
      %dma_start3A_92 = arith.constant 0 : i32
      %dma_start3A_93 = arith.constant 0 : i32
      %dma_start3A_94 = tpu.memref_slice %arg5[%dma_start3A, %dma_start3A_92, %dma_start3A_93] : memref<4x200x128xf32, #tpu.memory_space<vmem>> -> memref<1x200x128xf32, #tpu.memory_space<vmem>>
      %dma_start3A_95 = tpu.memref_squeeze %dma_start3A_94 : memref<1x200x128xf32, #tpu.memory_space<vmem>> -> memref<200x128xf32, #tpu.memory_space<vmem>>
      %dma_start3A_96 = arith.constant 0 : i32
      %dma_start3A_97 = tpu.memref_slice %arg2[%mul3A_90, %dma_start3A_96] : memref<500000x128xf32, #tpu.memory_space<hbm>> -> memref<200x128xf32, #tpu.memory_space<hbm>>
      %dma_start3A_98 = tpu.memref_slice %arg6[%dma_start3A_91] : memref<4x!tpu.dma_semaphore, #tpu.memory_space<semaphore_mem>> -> memref<1x!tpu.dma_semaphore, #tpu.memory_space<semaphore_mem>>
      %dma_start3A_99 = tpu.memref_squeeze %dma_start3A_98 : memref<1x!tpu.dma_semaphore, #tpu.memory_space<semaphore_mem>> -> memref<!tpu.dma_semaphore, #tpu.memory_space<semaphore_mem>>
      %dma_start3A_100 = arith.constant 0 : i32
      %dma_start3A_101 = arith.constant 0 : i32
      %dma_start3A_102 = tpu.memref_slice %arg5[%dma_start3A, %dma_start3A_100, %dma_start3A_101] : memref<4x200x128xf32, #tpu.memory_space<vmem>> -> memref<1x200x128xf32, #tpu.memory_space<vmem>>
      %dma_start3A_103 = tpu.memref_squeeze %dma_start3A_102 : memref<1x200x128xf32, #tpu.memory_space<vmem>> -> memref<200x128xf32, #tpu.memory_space<vmem>>
      %dma_start3A_104 = arith.constant 0 : i32
      %dma_start3A_105 = tpu.memref_slice %arg2[%mul3A_90, %dma_start3A_104] : memref<500000x128xf32, #tpu.memory_space<hbm>> -> memref<200x128xf32, #tpu.memory_space<hbm>>
      tpu.enqueue_dma source(%dma_start3A_105 : memref<200x128xf32, #tpu.memory_space<hbm>>) target(%dma_start3A_103 : memref<200x128xf32, #tpu.memory_space<vmem>>) target_semaphore(%dma_start3A_99 : memref<!tpu.dma_semaphore, #tpu.memory_space<semaphore_mem>>)
    } else {
    }
    %gt3A_33 = arith.constant 1 : i32
    %gt3A_34 = arith.cmpi sgt, %select_n3A, %gt3A_33 : i32
    %convert_element_type3A_35 = arith.extui %gt3A_34 : i1 to i32
    %cond3A_36 = arith.constant 0 : i32
    %cond3A_37 = arith.cmpi ne, %convert_element_type3A_35, %cond3A_36 : i32
    scf.if %cond3A_37 {
      %add3A_87 = arith.constant 32 : i32
      %add3A_88 = arith.addi %add3A, %add3A_87 : i32
      %mul3A_89 = arith.constant 200 : i32
      %mul3A_90 = arith.muli %add3A_88, %mul3A_89 : i32
      %dma_start3A = arith.constant 1 : i32
      %dma_start3A_91 = arith.constant 1 : i32
      %dma_start3A_92 = arith.constant 0 : i32
      %dma_start3A_93 = arith.constant 0 : i32
      %dma_start3A_94 = tpu.memref_slice %arg5[%dma_start3A, %dma_start3A_92, %dma_start3A_93] : memref<4x200x128xf32, #tpu.memory_space<vmem>> -> memref<1x200x128xf32, #tpu.memory_space<vmem>>
      %dma_start3A_95 = tpu.memref_squeeze %dma_start3A_94 : memref<1x200x128xf32, #tpu.memory_space<vmem>> -> memref<200x128xf32, #tpu.memory_space<vmem>>
      %dma_start3A_96 = arith.constant 0 : i32
      %dma_start3A_97 = tpu.memref_slice %arg2[%mul3A_90, %dma_start3A_96] : memref<500000x128xf32, #tpu.memory_space<hbm>> -> memref<200x128xf32, #tpu.memory_space<hbm>>
      %dma_start3A_98 = tpu.memref_slice %arg6[%dma_start3A_91] : memref<4x!tpu.dma_semaphore, #tpu.memory_space<semaphore_mem>> -> memref<1x!tpu.dma_semaphore, #tpu.memory_space<semaphore_mem>>
      %dma_start3A_99 = tpu.memref_squeeze %dma_start3A_98 : memref<1x!tpu.dma_semaphore, #tpu.memory_space<semaphore_mem>> -> memref<!tpu.dma_semaphore, #tpu.memory_space<semaphore_mem>>
      %dma_start3A_100 = arith.constant 0 : i32
      %dma_start3A_101 = arith.constant 0 : i32
      %dma_start3A_102 = tpu.memref_slice %arg5[%dma_start3A, %dma_start3A_100, %dma_start3A_101] : memref<4x200x128xf32, #tpu.memory_space<vmem>> -> memref<1x200x128xf32, #tpu.memory_space<vmem>>
      %dma_start3A_103 = tpu.memref_squeeze %dma_start3A_102 : memref<1x200x128xf32, #tpu.memory_space<vmem>> -> memref<200x128xf32, #tpu.memory_space<vmem>>
      %dma_start3A_104 = arith.constant 0 : i32
      %dma_start3A_105 = tpu.memref_slice %arg2[%mul3A_90, %dma_start3A_104] : memref<500000x128xf32, #tpu.memory_space<hbm>> -> memref<200x128xf32, #tpu.memory_space<hbm>>
      tpu.enqueue_dma source(%dma_start3A_105 : memref<200x128xf32, #tpu.memory_space<hbm>>) target(%dma_start3A_103 : memref<200x128xf32, #tpu.memory_space<vmem>>) target_semaphore(%dma_start3A_99 : memref<!tpu.dma_semaphore, #tpu.memory_space<semaphore_mem>>)
    } else {
    }
    %gt3A_38 = arith.constant 2 : i32
    %gt3A_39 = arith.cmpi sgt, %select_n3A, %gt3A_38 : i32
    %convert_element_type3A_40 = arith.extui %gt3A_39 : i1 to i32
    %cond3A_41 = arith.constant 0 : i32
    %cond3A_42 = arith.cmpi ne, %convert_element_type3A_40, %cond3A_41 : i32
    scf.if %cond3A_42 {
      %add3A_87 = arith.constant 64 : i32
      %add3A_88 = arith.addi %add3A, %add3A_87 : i32
      %mul3A_89 = arith.constant 200 : i32
      %mul3A_90 = arith.muli %add3A_88, %mul3A_89 : i32
      %dma_start3A = arith.constant 2 : i32
      %dma_start3A_91 = arith.constant 2 : i32
      %dma_start3A_92 = arith.constant 0 : i32
      %dma_start3A_93 = arith.constant 0 : i32
      %dma_start3A_94 = tpu.memref_slice %arg5[%dma_start3A, %dma_start3A_92, %dma_start3A_93] : memref<4x200x128xf32, #tpu.memory_space<vmem>> -> memref<1x200x128xf32, #tpu.memory_space<vmem>>
      %dma_start3A_95 = tpu.memref_squeeze %dma_start3A_94 : memref<1x200x128xf32, #tpu.memory_space<vmem>> -> memref<200x128xf32, #tpu.memory_space<vmem>>
      %dma_start3A_96 = arith.constant 0 : i32
      %dma_start3A_97 = tpu.memref_slice %arg2[%mul3A_90, %dma_start3A_96] : memref<500000x128xf32, #tpu.memory_space<hbm>> -> memref<200x128xf32, #tpu.memory_space<hbm>>
      %dma_start3A_98 = tpu.memref_slice %arg6[%dma_start3A_91] : memref<4x!tpu.dma_semaphore, #tpu.memory_space<semaphore_mem>> -> memref<1x!tpu.dma_semaphore, #tpu.memory_space<semaphore_mem>>
      %dma_start3A_99 = tpu.memref_squeeze %dma_start3A_98 : memref<1x!tpu.dma_semaphore, #tpu.memory_space<semaphore_mem>> -> memref<!tpu.dma_semaphore, #tpu.memory_space<semaphore_mem>>
      %dma_start3A_100 = arith.constant 0 : i32
      %dma_start3A_101 = arith.constant 0 : i32
      %dma_start3A_102 = tpu.memref_slice %arg5[%dma_start3A, %dma_start3A_100, %dma_start3A_101] : memref<4x200x128xf32, #tpu.memory_space<vmem>> -> memref<1x200x128xf32, #tpu.memory_space<vmem>>
      %dma_start3A_103 = tpu.memref_squeeze %dma_start3A_102 : memref<1x200x128xf32, #tpu.memory_space<vmem>> -> memref<200x128xf32, #tpu.memory_space<vmem>>
      %dma_start3A_104 = arith.constant 0 : i32
      %dma_start3A_105 = tpu.memref_slice %arg2[%mul3A_90, %dma_start3A_104] : memref<500000x128xf32, #tpu.memory_space<hbm>> -> memref<200x128xf32, #tpu.memory_space<hbm>>
      tpu.enqueue_dma source(%dma_start3A_105 : memref<200x128xf32, #tpu.memory_space<hbm>>) target(%dma_start3A_103 : memref<200x128xf32, #tpu.memory_space<vmem>>) target_semaphore(%dma_start3A_99 : memref<!tpu.dma_semaphore, #tpu.memory_space<semaphore_mem>>)
    } else {
    }
    %while3A = arith.constant 0 : i32
    %while3A_43 = arith.constant 0 : i32
    %while3A_44 = arith.subi %select_n3A, %while3A_43 : i32
    %while3A_45 = arith.addi %while3A_43, %while3A_44 : i32
    %while3A_46 = arith.constant 1 : i32
    %while3A_47 = arith.divsi %while3A_44, %while3A_46 : i32
    %while3A_48 = arith.muli %while3A_47, %while3A_46 : i32
    %while3A_49 = arith.addi %while3A_43, %while3A_48 : i32
    %while3A_50 = arith.constant 1 : i32
    scf.for %while3A_87 = %while3A_43 to %while3A_49 step %while3A_50  : i32 {
      %add3A_88 = arith.constant 4 : i32
      %add3A_89 = arith.addi %while3A_87, %add3A_88 : i32
      %sub3A_90 = arith.constant 1 : i32
      %sub3A_91 = arith.subi %add3A_89, %sub3A_90 : i32
      %lt3A_92 = arith.cmpi slt, %sub3A_91, %select_n3A : i32
      %convert_element_type3A_93 = arith.extui %lt3A_92 : i1 to i32
      %cond3A_94 = arith.constant 0 : i32
      %cond3A_95 = arith.cmpi ne, %convert_element_type3A_93, %cond3A_94 : i32
      scf.if %cond3A_95 {
        %ge3A_136 = arith.constant 1 : i32
        %ge3A_137 = arith.cmpi sge, %while3A_87, %ge3A_136 : i32
        %convert_element_type3A_138 = arith.extui %ge3A_137 : i1 to i32
        %cond3A_139 = arith.constant 0 : i32
        %cond3A_140 = arith.cmpi ne, %convert_element_type3A_138, %cond3A_139 : i32
        scf.if %cond3A_140 {
          %sub3A_162 = arith.constant 1 : i32
          %sub3A_163 = arith.subi %while3A_87, %sub3A_162 : i32
          %sub3A_164 = arith.constant 1 : i32
          %sub3A_165 = arith.subi %while3A_87, %sub3A_164 : i32
          %rem3A_166 = arith.constant 4 : i32
          %rem3A_167 = arith.remsi %sub3A_165, %rem3A_166 : i32
          %mul3A_168 = arith.constant 32 : i32
          %mul3A_169 = arith.muli %sub3A_163, %mul3A_168 : i32
          %add3A_170 = arith.addi %add3A, %mul3A_169 : i32
          %mul3A_171 = arith.constant 200 : i32
          %mul3A_172 = arith.muli %add3A_170, %mul3A_171 : i32
          %dma_wait3A_173 = arith.constant 0 : i32
          %dma_wait3A_174 = arith.constant 0 : i32
          %dma_wait3A_175 = tpu.memref_slice %arg5[%rem3A_167, %dma_wait3A_173, %dma_wait3A_174] : memref<4x200x128xf32, #tpu.memory_space<vmem>> -> memref<1x200x128xf32, #tpu.memory_space<vmem>>
          %dma_wait3A_176 = tpu.memref_squeeze %dma_wait3A_175 : memref<1x200x128xf32, #tpu.memory_space<vmem>> -> memref<200x128xf32, #tpu.memory_space<vmem>>
          %dma_wait3A_177 = arith.constant 0 : i32
          %dma_wait3A_178 = tpu.memref_slice %arg4[%mul3A_172, %dma_wait3A_177] : memref<500000x128xf32, #tpu.memory_space<hbm>> -> memref<200x128xf32, #tpu.memory_space<hbm>>
          %dma_wait3A_179 = tpu.memref_slice %arg7[%rem3A_167] : memref<4x!tpu.dma_semaphore, #tpu.memory_space<semaphore_mem>> -> memref<1x!tpu.dma_semaphore, #tpu.memory_space<semaphore_mem>>
          %dma_wait3A_180 = tpu.memref_squeeze %dma_wait3A_179 : memref<1x!tpu.dma_semaphore, #tpu.memory_space<semaphore_mem>> -> memref<!tpu.dma_semaphore, #tpu.memory_space<semaphore_mem>>
          %dma_wait3A_181 = arith.constant 0 : i32
          %dma_wait3A_182 = tpu.memref_slice %arg4[%mul3A_172, %dma_wait3A_181] : memref<500000x128xf32, #tpu.memory_space<hbm>> -> memref<200x128xf32, #tpu.memory_space<hbm>>
          %dma_wait3A_183 = arith.constant 0 : i32
          %dma_wait3A_184 = arith.constant 0 : i32
          %dma_wait3A_185 = tpu.memref_slice %arg5[%rem3A_167, %dma_wait3A_183, %dma_wait3A_184] : memref<4x200x128xf32, #tpu.memory_space<vmem>> -> memref<1x200x128xf32, #tpu.memory_space<vmem>>
          %dma_wait3A_186 = tpu.memref_squeeze %dma_wait3A_185 : memref<1x200x128xf32, #tpu.memory_space<vmem>> -> memref<200x128xf32, #tpu.memory_space<vmem>>
          tpu.wait_dma2 semaphore(%dma_wait3A_180 : memref<!tpu.dma_semaphore, #tpu.memory_space<semaphore_mem>>) src(%dma_wait3A_186 : memref<200x128xf32, #tpu.memory_space<vmem>>) dst(%dma_wait3A_182 : memref<200x128xf32, #tpu.memory_space<hbm>>)
        } else {
        }
        %rem3A_141 = arith.constant 4 : i32
        %rem3A_142 = arith.remsi %sub3A_91, %rem3A_141 : i32
        %mul3A_143 = arith.constant 32 : i32
        %mul3A_144 = arith.muli %sub3A_91, %mul3A_143 : i32
        %add3A_145 = arith.addi %add3A, %mul3A_144 : i32
        %mul3A_146 = arith.constant 200 : i32
        %mul3A_147 = arith.muli %add3A_145, %mul3A_146 : i32
        %dma_start3A_148 = arith.constant 0 : i32
        %dma_start3A_149 = arith.constant 0 : i32
        %dma_start3A_150 = tpu.memref_slice %arg5[%rem3A_142, %dma_start3A_148, %dma_start3A_149] : memref<4x200x128xf32, #tpu.memory_space<vmem>> -> memref<1x200x128xf32, #tpu.memory_space<vmem>>
        %dma_start3A_151 = tpu.memref_squeeze %dma_start3A_150 : memref<1x200x128xf32, #tpu.memory_space<vmem>> -> memref<200x128xf32, #tpu.memory_space<vmem>>
        %dma_start3A_152 = arith.constant 0 : i32
        %dma_start3A_153 = tpu.memref_slice %arg2[%mul3A_147, %dma_start3A_152] : memref<500000x128xf32, #tpu.memory_space<hbm>> -> memref<200x128xf32, #tpu.memory_space<hbm>>
        %dma_start3A_154 = tpu.memref_slice %arg6[%rem3A_142] : memref<4x!tpu.dma_semaphore, #tpu.memory_space<semaphore_mem>> -> memref<1x!tpu.dma_semaphore, #tpu.memory_space<semaphore_mem>>
        %dma_start3A_155 = tpu.memref_squeeze %dma_start3A_154 : memref<1x!tpu.dma_semaphore, #tpu.memory_space<semaphore_mem>> -> memref<!tpu.dma_semaphore, #tpu.memory_space<semaphore_mem>>
        %dma_start3A_156 = arith.constant 0 : i32
        %dma_start3A_157 = arith.constant 0 : i32
        %dma_start3A_158 = tpu.memref_slice %arg5[%rem3A_142, %dma_start3A_156, %dma_start3A_157] : memref<4x200x128xf32, #tpu.memory_space<vmem>> -> memref<1x200x128xf32, #tpu.memory_space<vmem>>
        %dma_start3A_159 = tpu.memref_squeeze %dma_start3A_158 : memref<1x200x128xf32, #tpu.memory_space<vmem>> -> memref<200x128xf32, #tpu.memory_space<vmem>>
        %dma_start3A_160 = arith.constant 0 : i32
        %dma_start3A_161 = tpu.memref_slice %arg2[%mul3A_147, %dma_start3A_160] : memref<500000x128xf32, #tpu.memory_space<hbm>> -> memref<200x128xf32, #tpu.memory_space<hbm>>
        tpu.enqueue_dma source(%dma_start3A_161 : memref<200x128xf32, #tpu.memory_space<hbm>>) target(%dma_start3A_159 : memref<200x128xf32, #tpu.memory_space<vmem>>) target_semaphore(%dma_start3A_155 : memref<!tpu.dma_semaphore, #tpu.memory_space<semaphore_mem>>)
      } else {
      }
      %rem3A_96 = arith.constant 4 : i32
      %rem3A_97 = arith.remsi %while3A_87, %rem3A_96 : i32
      %mul3A_98 = arith.constant 32 : i32
      %mul3A_99 = arith.muli %while3A_87, %mul3A_98 : i32
      %add3A_100 = arith.addi %add3A, %mul3A_99 : i32
      %mul3A_101 = arith.constant 200 : i32
      %mul3A_102 = arith.muli %add3A_100, %mul3A_101 : i32
      %dma_wait3A = arith.constant 0 : i32
      %dma_wait3A_103 = arith.constant 0 : i32
      %dma_wait3A_104 = tpu.memref_slice %arg5[%rem3A_97, %dma_wait3A, %dma_wait3A_103] : memref<4x200x128xf32, #tpu.memory_space<vmem>> -> memref<1x200x128xf32, #tpu.memory_space<vmem>>
      %dma_wait3A_105 = tpu.memref_squeeze %dma_wait3A_104 : memref<1x200x128xf32, #tpu.memory_space<vmem>> -> memref<200x128xf32, #tpu.memory_space<vmem>>
      %dma_wait3A_106 = arith.constant 0 : i32
      %dma_wait3A_107 = tpu.memref_slice %arg2[%mul3A_102, %dma_wait3A_106] : memref<500000x128xf32, #tpu.memory_space<hbm>> -> memref<200x128xf32, #tpu.memory_space<hbm>>
      %dma_wait3A_108 = tpu.memref_slice %arg6[%rem3A_97] : memref<4x!tpu.dma_semaphore, #tpu.memory_space<semaphore_mem>> -> memref<1x!tpu.dma_semaphore, #tpu.memory_space<semaphore_mem>>
      %dma_wait3A_109 = tpu.memref_squeeze %dma_wait3A_108 : memref<1x!tpu.dma_semaphore, #tpu.memory_space<semaphore_mem>> -> memref<!tpu.dma_semaphore, #tpu.memory_space<semaphore_mem>>
      %dma_wait3A_110 = arith.constant 0 : i32
      %dma_wait3A_111 = arith.constant 0 : i32
      %dma_wait3A_112 = tpu.memref_slice %arg5[%rem3A_97, %dma_wait3A_110, %dma_wait3A_111] : memref<4x200x128xf32, #tpu.memory_space<vmem>> -> memref<1x200x128xf32, #tpu.memory_space<vmem>>
      %dma_wait3A_113 = tpu.memref_squeeze %dma_wait3A_112 : memref<1x200x128xf32, #tpu.memory_space<vmem>> -> memref<200x128xf32, #tpu.memory_space<vmem>>
      %dma_wait3A_114 = arith.constant 0 : i32
      %dma_wait3A_115 = tpu.memref_slice %arg2[%mul3A_102, %dma_wait3A_114] : memref<500000x128xf32, #tpu.memory_space<hbm>> -> memref<200x128xf32, #tpu.memory_space<hbm>>
      tpu.wait_dma2 semaphore(%dma_wait3A_109 : memref<!tpu.dma_semaphore, #tpu.memory_space<semaphore_mem>>) src(%dma_wait3A_115 : memref<200x128xf32, #tpu.memory_space<hbm>>) dst(%dma_wait3A_113 : memref<200x128xf32, #tpu.memory_space<vmem>>)
      %rem3A_116 = arith.constant 4 : i32
      %rem3A_117 = arith.remsi %while3A_87, %rem3A_116 : i32
      %mul3A_118 = arith.constant 32 : i32
      %mul3A_119 = arith.muli %while3A_87, %mul3A_118 : i32
      %add3A_120 = arith.addi %add3A, %mul3A_119 : i32
      %mul3A_121 = arith.constant 200 : i32
      %mul3A_122 = arith.muli %add3A_120, %mul3A_121 : i32
      %dma_start3A = arith.constant 0 : i32
      %dma_start3A_123 = arith.constant 0 : i32
      %dma_start3A_124 = tpu.memref_slice %arg5[%rem3A_117, %dma_start3A, %dma_start3A_123] : memref<4x200x128xf32, #tpu.memory_space<vmem>> -> memref<1x200x128xf32, #tpu.memory_space<vmem>>
      %dma_start3A_125 = tpu.memref_squeeze %dma_start3A_124 : memref<1x200x128xf32, #tpu.memory_space<vmem>> -> memref<200x128xf32, #tpu.memory_space<vmem>>
      %dma_start3A_126 = arith.constant 0 : i32
      %dma_start3A_127 = tpu.memref_slice %arg4[%mul3A_122, %dma_start3A_126] : memref<500000x128xf32, #tpu.memory_space<hbm>> -> memref<200x128xf32, #tpu.memory_space<hbm>>
      %dma_start3A_128 = tpu.memref_slice %arg7[%rem3A_117] : memref<4x!tpu.dma_semaphore, #tpu.memory_space<semaphore_mem>> -> memref<1x!tpu.dma_semaphore, #tpu.memory_space<semaphore_mem>>
      %dma_start3A_129 = tpu.memref_squeeze %dma_start3A_128 : memref<1x!tpu.dma_semaphore, #tpu.memory_space<semaphore_mem>> -> memref<!tpu.dma_semaphore, #tpu.memory_space<semaphore_mem>>
      %dma_start3A_130 = arith.constant 0 : i32
      %dma_start3A_131 = tpu.memref_slice %arg4[%mul3A_122, %dma_start3A_130] : memref<500000x128xf32, #tpu.memory_space<hbm>> -> memref<200x128xf32, #tpu.memory_space<hbm>>
      %dma_start3A_132 = arith.constant 0 : i32
      %dma_start3A_133 = arith.constant 0 : i32
      %dma_start3A_134 = tpu.memref_slice %arg5[%rem3A_117, %dma_start3A_132, %dma_start3A_133] : memref<4x200x128xf32, #tpu.memory_space<vmem>> -> memref<1x200x128xf32, #tpu.memory_space<vmem>>
      %dma_start3A_135 = tpu.memref_squeeze %dma_start3A_134 : memref<1x200x128xf32, #tpu.memory_space<vmem>> -> memref<200x128xf32, #tpu.memory_space<vmem>>
      tpu.enqueue_dma source(%dma_start3A_135 : memref<200x128xf32, #tpu.memory_space<vmem>>) target(%dma_start3A_131 : memref<200x128xf32, #tpu.memory_space<hbm>>) target_semaphore(%dma_start3A_129 : memref<!tpu.dma_semaphore, #tpu.memory_space<semaphore_mem>>)
    }
    %while3A_51 = arith.constant 1 : i32
    scf.for %while3A_87 = %while3A_49 to %while3A_45 step %while3A_51  : i32 {
      %add3A_88 = arith.constant 4 : i32
      %add3A_89 = arith.addi %while3A_87, %add3A_88 : i32
      %sub3A_90 = arith.constant 1 : i32
      %sub3A_91 = arith.subi %add3A_89, %sub3A_90 : i32
      %lt3A_92 = arith.cmpi slt, %sub3A_91, %select_n3A : i32
      %convert_element_type3A_93 = arith.extui %lt3A_92 : i1 to i32
      %cond3A_94 = arith.constant 0 : i32
      %cond3A_95 = arith.cmpi ne, %convert_element_type3A_93, %cond3A_94 : i32
      scf.if %cond3A_95 {
        %ge3A_136 = arith.constant 1 : i32
        %ge3A_137 = arith.cmpi sge, %while3A_87, %ge3A_136 : i32
        %convert_element_type3A_138 = arith.extui %ge3A_137 : i1 to i32
        %cond3A_139 = arith.constant 0 : i32
        %cond3A_140 = arith.cmpi ne, %convert_element_type3A_138, %cond3A_139 : i32
        scf.if %cond3A_140 {
          %sub3A_162 = arith.constant 1 : i32
          %sub3A_163 = arith.subi %while3A_87, %sub3A_162 : i32
          %sub3A_164 = arith.constant 1 : i32
          %sub3A_165 = arith.subi %while3A_87, %sub3A_164 : i32
          %rem3A_166 = arith.constant 4 : i32
          %rem3A_167 = arith.remsi %sub3A_165, %rem3A_166 : i32
          %mul3A_168 = arith.constant 32 : i32
          %mul3A_169 = arith.muli %sub3A_163, %mul3A_168 : i32
          %add3A_170 = arith.addi %add3A, %mul3A_169 : i32
          %mul3A_171 = arith.constant 200 : i32
          %mul3A_172 = arith.muli %add3A_170, %mul3A_171 : i32
          %dma_wait3A_173 = arith.constant 0 : i32
          %dma_wait3A_174 = arith.constant 0 : i32
          %dma_wait3A_175 = tpu.memref_slice %arg5[%rem3A_167, %dma_wait3A_173, %dma_wait3A_174] : memref<4x200x128xf32, #tpu.memory_space<vmem>> -> memref<1x200x128xf32, #tpu.memory_space<vmem>>
          %dma_wait3A_176 = tpu.memref_squeeze %dma_wait3A_175 : memref<1x200x128xf32, #tpu.memory_space<vmem>> -> memref<200x128xf32, #tpu.memory_space<vmem>>
          %dma_wait3A_177 = arith.constant 0 : i32
          %dma_wait3A_178 = tpu.memref_slice %arg4[%mul3A_172, %dma_wait3A_177] : memref<500000x128xf32, #tpu.memory_space<hbm>> -> memref<200x128xf32, #tpu.memory_space<hbm>>
          %dma_wait3A_179 = tpu.memref_slice %arg7[%rem3A_167] : memref<4x!tpu.dma_semaphore, #tpu.memory_space<semaphore_mem>> -> memref<1x!tpu.dma_semaphore, #tpu.memory_space<semaphore_mem>>
          %dma_wait3A_180 = tpu.memref_squeeze %dma_wait3A_179 : memref<1x!tpu.dma_semaphore, #tpu.memory_space<semaphore_mem>> -> memref<!tpu.dma_semaphore, #tpu.memory_space<semaphore_mem>>
          %dma_wait3A_181 = arith.constant 0 : i32
          %dma_wait3A_182 = tpu.memref_slice %arg4[%mul3A_172, %dma_wait3A_181] : memref<500000x128xf32, #tpu.memory_space<hbm>> -> memref<200x128xf32, #tpu.memory_space<hbm>>
          %dma_wait3A_183 = arith.constant 0 : i32
          %dma_wait3A_184 = arith.constant 0 : i32
          %dma_wait3A_185 = tpu.memref_slice %arg5[%rem3A_167, %dma_wait3A_183, %dma_wait3A_184] : memref<4x200x128xf32, #tpu.memory_space<vmem>> -> memref<1x200x128xf32, #tpu.memory_space<vmem>>
          %dma_wait3A_186 = tpu.memref_squeeze %dma_wait3A_185 : memref<1x200x128xf32, #tpu.memory_space<vmem>> -> memref<200x128xf32, #tpu.memory_space<vmem>>
          tpu.wait_dma2 semaphore(%dma_wait3A_180 : memref<!tpu.dma_semaphore, #tpu.memory_space<semaphore_mem>>) src(%dma_wait3A_186 : memref<200x128xf32, #tpu.memory_space<vmem>>) dst(%dma_wait3A_182 : memref<200x128xf32, #tpu.memory_space<hbm>>)
        } else {
        }
        %rem3A_141 = arith.constant 4 : i32
        %rem3A_142 = arith.remsi %sub3A_91, %rem3A_141 : i32
        %mul3A_143 = arith.constant 32 : i32
        %mul3A_144 = arith.muli %sub3A_91, %mul3A_143 : i32
        %add3A_145 = arith.addi %add3A, %mul3A_144 : i32
        %mul3A_146 = arith.constant 200 : i32
        %mul3A_147 = arith.muli %add3A_145, %mul3A_146 : i32
        %dma_start3A_148 = arith.constant 0 : i32
        %dma_start3A_149 = arith.constant 0 : i32
        %dma_start3A_150 = tpu.memref_slice %arg5[%rem3A_142, %dma_start3A_148, %dma_start3A_149] : memref<4x200x128xf32, #tpu.memory_space<vmem>> -> memref<1x200x128xf32, #tpu.memory_space<vmem>>
        %dma_start3A_151 = tpu.memref_squeeze %dma_start3A_150 : memref<1x200x128xf32, #tpu.memory_space<vmem>> -> memref<200x128xf32, #tpu.memory_space<vmem>>
        %dma_start3A_152 = arith.constant 0 : i32
        %dma_start3A_153 = tpu.memref_slice %arg2[%mul3A_147, %dma_start3A_152] : memref<500000x128xf32, #tpu.memory_space<hbm>> -> memref<200x128xf32, #tpu.memory_space<hbm>>
        %dma_start3A_154 = tpu.memref_slice %arg6[%rem3A_142] : memref<4x!tpu.dma_semaphore, #tpu.memory_space<semaphore_mem>> -> memref<1x!tpu.dma_semaphore, #tpu.memory_space<semaphore_mem>>
        %dma_start3A_155 = tpu.memref_squeeze %dma_start3A_154 : memref<1x!tpu.dma_semaphore, #tpu.memory_space<semaphore_mem>> -> memref<!tpu.dma_semaphore, #tpu.memory_space<semaphore_mem>>
        %dma_start3A_156 = arith.constant 0 : i32
        %dma_start3A_157 = arith.constant 0 : i32
        %dma_start3A_158 = tpu.memref_slice %arg5[%rem3A_142, %dma_start3A_156, %dma_start3A_157] : memref<4x200x128xf32, #tpu.memory_space<vmem>> -> memref<1x200x128xf32, #tpu.memory_space<vmem>>
        %dma_start3A_159 = tpu.memref_squeeze %dma_start3A_158 : memref<1x200x128xf32, #tpu.memory_space<vmem>> -> memref<200x128xf32, #tpu.memory_space<vmem>>
        %dma_start3A_160 = arith.constant 0 : i32
        %dma_start3A_161 = tpu.memref_slice %arg2[%mul3A_147, %dma_start3A_160] : memref<500000x128xf32, #tpu.memory_space<hbm>> -> memref<200x128xf32, #tpu.memory_space<hbm>>
        tpu.enqueue_dma source(%dma_start3A_161 : memref<200x128xf32, #tpu.memory_space<hbm>>) target(%dma_start3A_159 : memref<200x128xf32, #tpu.memory_space<vmem>>) target_semaphore(%dma_start3A_155 : memref<!tpu.dma_semaphore, #tpu.memory_space<semaphore_mem>>)
      } else {
      }
      %rem3A_96 = arith.constant 4 : i32
      %rem3A_97 = arith.remsi %while3A_87, %rem3A_96 : i32
      %mul3A_98 = arith.constant 32 : i32
      %mul3A_99 = arith.muli %while3A_87, %mul3A_98 : i32
      %add3A_100 = arith.addi %add3A, %mul3A_99 : i32
      %mul3A_101 = arith.constant 200 : i32
      %mul3A_102 = arith.muli %add3A_100, %mul3A_101 : i32
      %dma_wait3A = arith.constant 0 : i32
      %dma_wait3A_103 = arith.constant 0 : i32
      %dma_wait3A_104 = tpu.memref_slice %arg5[%rem3A_97, %dma_wait3A, %dma_wait3A_103] : memref<4x200x128xf32, #tpu.memory_space<vmem>> -> memref<1x200x128xf32, #tpu.memory_space<vmem>>
      %dma_wait3A_105 = tpu.memref_squeeze %dma_wait3A_104 : memref<1x200x128xf32, #tpu.memory_space<vmem>> -> memref<200x128xf32, #tpu.memory_space<vmem>>
      %dma_wait3A_106 = arith.constant 0 : i32
      %dma_wait3A_107 = tpu.memref_slice %arg2[%mul3A_102, %dma_wait3A_106] : memref<500000x128xf32, #tpu.memory_space<hbm>> -> memref<200x128xf32, #tpu.memory_space<hbm>>
      %dma_wait3A_108 = tpu.memref_slice %arg6[%rem3A_97] : memref<4x!tpu.dma_semaphore, #tpu.memory_space<semaphore_mem>> -> memref<1x!tpu.dma_semaphore, #tpu.memory_space<semaphore_mem>>
      %dma_wait3A_109 = tpu.memref_squeeze %dma_wait3A_108 : memref<1x!tpu.dma_semaphore, #tpu.memory_space<semaphore_mem>> -> memref<!tpu.dma_semaphore, #tpu.memory_space<semaphore_mem>>
      %dma_wait3A_110 = arith.constant 0 : i32
      %dma_wait3A_111 = arith.constant 0 : i32
      %dma_wait3A_112 = tpu.memref_slice %arg5[%rem3A_97, %dma_wait3A_110, %dma_wait3A_111] : memref<4x200x128xf32, #tpu.memory_space<vmem>> -> memref<1x200x128xf32, #tpu.memory_space<vmem>>
      %dma_wait3A_113 = tpu.memref_squeeze %dma_wait3A_112 : memref<1x200x128xf32, #tpu.memory_space<vmem>> -> memref<200x128xf32, #tpu.memory_space<vmem>>
      %dma_wait3A_114 = arith.constant 0 : i32
      %dma_wait3A_115 = tpu.memref_slice %arg2[%mul3A_102, %dma_wait3A_114] : memref<500000x128xf32, #tpu.memory_space<hbm>> -> memref<200x128xf32, #tpu.memory_space<hbm>>
      tpu.wait_dma2 semaphore(%dma_wait3A_109 : memref<!tpu.dma_semaphore, #tpu.memory_space<semaphore_mem>>) src(%dma_wait3A_115 : memref<200x128xf32, #tpu.memory_space<hbm>>) dst(%dma_wait3A_113 : memref<200x128xf32, #tpu.memory_space<vmem>>)
      %rem3A_116 = arith.constant 4 : i32
      %rem3A_117 = arith.remsi %while3A_87, %rem3A_116 : i32
      %mul3A_118 = arith.constant 32 : i32
      %mul3A_119 = arith.muli %while3A_87, %mul3A_118 : i32
      %add3A_120 = arith.addi %add3A, %mul3A_119 : i32
      %mul3A_121 = arith.constant 200 : i32
      %mul3A_122 = arith.muli %add3A_120, %mul3A_121 : i32
      %dma_start3A = arith.constant 0 : i32
      %dma_start3A_123 = arith.constant 0 : i32
      %dma_start3A_124 = tpu.memref_slice %arg5[%rem3A_117, %dma_start3A, %dma_start3A_123] : memref<4x200x128xf32, #tpu.memory_space<vmem>> -> memref<1x200x128xf32, #tpu.memory_space<vmem>>
      %dma_start3A_125 = tpu.memref_squeeze %dma_start3A_124 : memref<1x200x128xf32, #tpu.memory_space<vmem>> -> memref<200x128xf32, #tpu.memory_space<vmem>>
      %dma_start3A_126 = arith.constant 0 : i32
      %dma_start3A_127 = tpu.memref_slice %arg4[%mul3A_122, %dma_start3A_126] : memref<500000x128xf32, #tpu.memory_space<hbm>> -> memref<200x128xf32, #tpu.memory_space<hbm>>
      %dma_start3A_128 = tpu.memref_slice %arg7[%rem3A_117] : memref<4x!tpu.dma_semaphore, #tpu.memory_space<semaphore_mem>> -> memref<1x!tpu.dma_semaphore, #tpu.memory_space<semaphore_mem>>
      %dma_start3A_129 = tpu.memref_squeeze %dma_start3A_128 : memref<1x!tpu.dma_semaphore, #tpu.memory_space<semaphore_mem>> -> memref<!tpu.dma_semaphore, #tpu.memory_space<semaphore_mem>>
      %dma_start3A_130 = arith.constant 0 : i32
      %dma_start3A_131 = tpu.memref_slice %arg4[%mul3A_122, %dma_start3A_130] : memref<500000x128xf32, #tpu.memory_space<hbm>> -> memref<200x128xf32, #tpu.memory_space<hbm>>
      %dma_start3A_132 = arith.constant 0 : i32
      %dma_start3A_133 = arith.constant 0 : i32
      %dma_start3A_134 = tpu.memref_slice %arg5[%rem3A_117, %dma_start3A_132, %dma_start3A_133] : memref<4x200x128xf32, #tpu.memory_space<vmem>> -> memref<1x200x128xf32, #tpu.memory_space<vmem>>
      %dma_start3A_135 = tpu.memref_squeeze %dma_start3A_134 : memref<1x200x128xf32, #tpu.memory_space<vmem>> -> memref<200x128xf32, #tpu.memory_space<vmem>>
      tpu.enqueue_dma source(%dma_start3A_135 : memref<200x128xf32, #tpu.memory_space<vmem>>) target(%dma_start3A_131 : memref<200x128xf32, #tpu.memory_space<hbm>>) target_semaphore(%dma_start3A_129 : memref<!tpu.dma_semaphore, #tpu.memory_space<semaphore_mem>>)
    }
    %sub3A_52 = arith.constant 4 : i32
    %sub3A_53 = arith.subi %select_n3A, %sub3A_52 : i32
    %add3A_54 = arith.constant 0 : i32
    %add3A_55 = arith.addi %sub3A_53, %add3A_54 : i32
    %ge3A = arith.constant 0 : i32
    %ge3A_56 = arith.cmpi sge, %add3A_55, %ge3A : i32
    %convert_element_type3A_57 = arith.extui %ge3A_56 : i1 to i32
    %cond3A_58 = arith.constant 0 : i32
    %cond3A_59 = arith.cmpi ne, %convert_element_type3A_57, %cond3A_58 : i32
    scf.if %cond3A_59 {
      %rem3A_87 = arith.constant 4 : i32
      %rem3A_88 = arith.remsi %add3A_55, %rem3A_87 : i32
      %mul3A_89 = arith.constant 32 : i32
      %mul3A_90 = arith.muli %add3A_55, %mul3A_89 : i32
      %add3A_91 = arith.addi %add3A, %mul3A_90 : i32
      %mul3A_92 = arith.constant 200 : i32
      %mul3A_93 = arith.muli %add3A_91, %mul3A_92 : i32
      %dma_wait3A = arith.constant 0 : i32
      %dma_wait3A_94 = arith.constant 0 : i32
      %dma_wait3A_95 = tpu.memref_slice %arg5[%rem3A_88, %dma_wait3A, %dma_wait3A_94] : memref<4x200x128xf32, #tpu.memory_space<vmem>> -> memref<1x200x128xf32, #tpu.memory_space<vmem>>
      %dma_wait3A_96 = tpu.memref_squeeze %dma_wait3A_95 : memref<1x200x128xf32, #tpu.memory_space<vmem>> -> memref<200x128xf32, #tpu.memory_space<vmem>>
      %dma_wait3A_97 = arith.constant 0 : i32
      %dma_wait3A_98 = tpu.memref_slice %arg4[%mul3A_93, %dma_wait3A_97] : memref<500000x128xf32, #tpu.memory_space<hbm>> -> memref<200x128xf32, #tpu.memory_space<hbm>>
      %dma_wait3A_99 = tpu.memref_slice %arg7[%rem3A_88] : memref<4x!tpu.dma_semaphore, #tpu.memory_space<semaphore_mem>> -> memref<1x!tpu.dma_semaphore, #tpu.memory_space<semaphore_mem>>
      %dma_wait3A_100 = tpu.memref_squeeze %dma_wait3A_99 : memref<1x!tpu.dma_semaphore, #tpu.memory_space<semaphore_mem>> -> memref<!tpu.dma_semaphore, #tpu.memory_space<semaphore_mem>>
      %dma_wait3A_101 = arith.constant 0 : i32
      %dma_wait3A_102 = tpu.memref_slice %arg4[%mul3A_93, %dma_wait3A_101] : memref<500000x128xf32, #tpu.memory_space<hbm>> -> memref<200x128xf32, #tpu.memory_space<hbm>>
      %dma_wait3A_103 = arith.constant 0 : i32
      %dma_wait3A_104 = arith.constant 0 : i32
      %dma_wait3A_105 = tpu.memref_slice %arg5[%rem3A_88, %dma_wait3A_103, %dma_wait3A_104] : memref<4x200x128xf32, #tpu.memory_space<vmem>> -> memref<1x200x128xf32, #tpu.memory_space<vmem>>
      %dma_wait3A_106 = tpu.memref_squeeze %dma_wait3A_105 : memref<1x200x128xf32, #tpu.memory_space<vmem>> -> memref<200x128xf32, #tpu.memory_space<vmem>>
      tpu.wait_dma2 semaphore(%dma_wait3A_100 : memref<!tpu.dma_semaphore, #tpu.memory_space<semaphore_mem>>) src(%dma_wait3A_106 : memref<200x128xf32, #tpu.memory_space<vmem>>) dst(%dma_wait3A_102 : memref<200x128xf32, #tpu.memory_space<hbm>>)
    } else {
    }
    %sub3A_60 = arith.constant 4 : i32
    %sub3A_61 = arith.subi %select_n3A, %sub3A_60 : i32
    %add3A_62 = arith.constant 1 : i32
    %add3A_63 = arith.addi %sub3A_61, %add3A_62 : i32
    %ge3A_64 = arith.constant 0 : i32
    %ge3A_65 = arith.cmpi sge, %add3A_63, %ge3A_64 : i32
    %convert_element_type3A_66 = arith.extui %ge3A_65 : i1 to i32
    %cond3A_67 = arith.constant 0 : i32
    %cond3A_68 = arith.cmpi ne, %convert_element_type3A_66, %cond3A_67 : i32
    scf.if %cond3A_68 {
      %rem3A_87 = arith.constant 4 : i32
      %rem3A_88 = arith.remsi %add3A_63, %rem3A_87 : i32
      %mul3A_89 = arith.constant 32 : i32
      %mul3A_90 = arith.muli %add3A_63, %mul3A_89 : i32
      %add3A_91 = arith.addi %add3A, %mul3A_90 : i32
      %mul3A_92 = arith.constant 200 : i32
      %mul3A_93 = arith.muli %add3A_91, %mul3A_92 : i32
      %dma_wait3A = arith.constant 0 : i32
      %dma_wait3A_94 = arith.constant 0 : i32
      %dma_wait3A_95 = tpu.memref_slice %arg5[%rem3A_88, %dma_wait3A, %dma_wait3A_94] : memref<4x200x128xf32, #tpu.memory_space<vmem>> -> memref<1x200x128xf32, #tpu.memory_space<vmem>>
      %dma_wait3A_96 = tpu.memref_squeeze %dma_wait3A_95 : memref<1x200x128xf32, #tpu.memory_space<vmem>> -> memref<200x128xf32, #tpu.memory_space<vmem>>
      %dma_wait3A_97 = arith.constant 0 : i32
      %dma_wait3A_98 = tpu.memref_slice %arg4[%mul3A_93, %dma_wait3A_97] : memref<500000x128xf32, #tpu.memory_space<hbm>> -> memref<200x128xf32, #tpu.memory_space<hbm>>
      %dma_wait3A_99 = tpu.memref_slice %arg7[%rem3A_88] : memref<4x!tpu.dma_semaphore, #tpu.memory_space<semaphore_mem>> -> memref<1x!tpu.dma_semaphore, #tpu.memory_space<semaphore_mem>>
      %dma_wait3A_100 = tpu.memref_squeeze %dma_wait3A_99 : memref<1x!tpu.dma_semaphore, #tpu.memory_space<semaphore_mem>> -> memref<!tpu.dma_semaphore, #tpu.memory_space<semaphore_mem>>
      %dma_wait3A_101 = arith.constant 0 : i32
      %dma_wait3A_102 = tpu.memref_slice %arg4[%mul3A_93, %dma_wait3A_101] : memref<500000x128xf32, #tpu.memory_space<hbm>> -> memref<200x128xf32, #tpu.memory_space<hbm>>
      %dma_wait3A_103 = arith.constant 0 : i32
      %dma_wait3A_104 = arith.constant 0 : i32
      %dma_wait3A_105 = tpu.memref_slice %arg5[%rem3A_88, %dma_wait3A_103, %dma_wait3A_104] : memref<4x200x128xf32, #tpu.memory_space<vmem>> -> memref<1x200x128xf32, #tpu.memory_space<vmem>>
      %dma_wait3A_106 = tpu.memref_squeeze %dma_wait3A_105 : memref<1x200x128xf32, #tpu.memory_space<vmem>> -> memref<200x128xf32, #tpu.memory_space<vmem>>
      tpu.wait_dma2 semaphore(%dma_wait3A_100 : memref<!tpu.dma_semaphore, #tpu.memory_space<semaphore_mem>>) src(%dma_wait3A_106 : memref<200x128xf32, #tpu.memory_space<vmem>>) dst(%dma_wait3A_102 : memref<200x128xf32, #tpu.memory_space<hbm>>)
    } else {
    }
    %sub3A_69 = arith.constant 4 : i32
    %sub3A_70 = arith.subi %select_n3A, %sub3A_69 : i32
    %add3A_71 = arith.constant 2 : i32
    %add3A_72 = arith.addi %sub3A_70, %add3A_71 : i32
    %ge3A_73 = arith.constant 0 : i32
    %ge3A_74 = arith.cmpi sge, %add3A_72, %ge3A_73 : i32
    %convert_element_type3A_75 = arith.extui %ge3A_74 : i1 to i32
    %cond3A_76 = arith.constant 0 : i32
    %cond3A_77 = arith.cmpi ne, %convert_element_type3A_75, %cond3A_76 : i32
    scf.if %cond3A_77 {
      %rem3A_87 = arith.constant 4 : i32
      %rem3A_88 = arith.remsi %add3A_72, %rem3A_87 : i32
      %mul3A_89 = arith.constant 32 : i32
      %mul3A_90 = arith.muli %add3A_72, %mul3A_89 : i32
      %add3A_91 = arith.addi %add3A, %mul3A_90 : i32
      %mul3A_92 = arith.constant 200 : i32
      %mul3A_93 = arith.muli %add3A_91, %mul3A_92 : i32
      %dma_wait3A = arith.constant 0 : i32
      %dma_wait3A_94 = arith.constant 0 : i32
      %dma_wait3A_95 = tpu.memref_slice %arg5[%rem3A_88, %dma_wait3A, %dma_wait3A_94] : memref<4x200x128xf32, #tpu.memory_space<vmem>> -> memref<1x200x128xf32, #tpu.memory_space<vmem>>
      %dma_wait3A_96 = tpu.memref_squeeze %dma_wait3A_95 : memref<1x200x128xf32, #tpu.memory_space<vmem>> -> memref<200x128xf32, #tpu.memory_space<vmem>>
      %dma_wait3A_97 = arith.constant 0 : i32
      %dma_wait3A_98 = tpu.memref_slice %arg4[%mul3A_93, %dma_wait3A_97] : memref<500000x128xf32, #tpu.memory_space<hbm>> -> memref<200x128xf32, #tpu.memory_space<hbm>>
      %dma_wait3A_99 = tpu.memref_slice %arg7[%rem3A_88] : memref<4x!tpu.dma_semaphore, #tpu.memory_space<semaphore_mem>> -> memref<1x!tpu.dma_semaphore, #tpu.memory_space<semaphore_mem>>
      %dma_wait3A_100 = tpu.memref_squeeze %dma_wait3A_99 : memref<1x!tpu.dma_semaphore, #tpu.memory_space<semaphore_mem>> -> memref<!tpu.dma_semaphore, #tpu.memory_space<semaphore_mem>>
      %dma_wait3A_101 = arith.constant 0 : i32
      %dma_wait3A_102 = tpu.memref_slice %arg4[%mul3A_93, %dma_wait3A_101] : memref<500000x128xf32, #tpu.memory_space<hbm>> -> memref<200x128xf32, #tpu.memory_space<hbm>>
      %dma_wait3A_103 = arith.constant 0 : i32
      %dma_wait3A_104 = arith.constant 0 : i32
      %dma_wait3A_105 = tpu.memref_slice %arg5[%rem3A_88, %dma_wait3A_103, %dma_wait3A_104] : memref<4x200x128xf32, #tpu.memory_space<vmem>> -> memref<1x200x128xf32, #tpu.memory_space<vmem>>
      %dma_wait3A_106 = tpu.memref_squeeze %dma_wait3A_105 : memref<1x200x128xf32, #tpu.memory_space<vmem>> -> memref<200x128xf32, #tpu.memory_space<vmem>>
      tpu.wait_dma2 semaphore(%dma_wait3A_100 : memref<!tpu.dma_semaphore, #tpu.memory_space<semaphore_mem>>) src(%dma_wait3A_106 : memref<200x128xf32, #tpu.memory_space<vmem>>) dst(%dma_wait3A_102 : memref<200x128xf32, #tpu.memory_space<hbm>>)
    } else {
    }
    %sub3A_78 = arith.constant 4 : i32
    %sub3A_79 = arith.subi %select_n3A, %sub3A_78 : i32
    %add3A_80 = arith.constant 3 : i32
    %add3A_81 = arith.addi %sub3A_79, %add3A_80 : i32
    %ge3A_82 = arith.constant 0 : i32
    %ge3A_83 = arith.cmpi sge, %add3A_81, %ge3A_82 : i32
    %convert_element_type3A_84 = arith.extui %ge3A_83 : i1 to i32
    %cond3A_85 = arith.constant 0 : i32
    %cond3A_86 = arith.cmpi ne, %convert_element_type3A_84, %cond3A_85 : i32
    scf.if %cond3A_86 {
      %rem3A_87 = arith.constant 4 : i32
      %rem3A_88 = arith.remsi %add3A_81, %rem3A_87 : i32
      %mul3A_89 = arith.constant 32 : i32
      %mul3A_90 = arith.muli %add3A_81, %mul3A_89 : i32
      %add3A_91 = arith.addi %add3A, %mul3A_90 : i32
      %mul3A_92 = arith.constant 200 : i32
      %mul3A_93 = arith.muli %add3A_91, %mul3A_92 : i32
      %dma_wait3A = arith.constant 0 : i32
      %dma_wait3A_94 = arith.constant 0 : i32
      %dma_wait3A_95 = tpu.memref_slice %arg5[%rem3A_88, %dma_wait3A, %dma_wait3A_94] : memref<4x200x128xf32, #tpu.memory_space<vmem>> -> memref<1x200x128xf32, #tpu.memory_space<vmem>>
      %dma_wait3A_96 = tpu.memref_squeeze %dma_wait3A_95 : memref<1x200x128xf32, #tpu.memory_space<vmem>> -> memref<200x128xf32, #tpu.memory_space<vmem>>
      %dma_wait3A_97 = arith.constant 0 : i32
      %dma_wait3A_98 = tpu.memref_slice %arg4[%mul3A_93, %dma_wait3A_97] : memref<500000x128xf32, #tpu.memory_space<hbm>> -> memref<200x128xf32, #tpu.memory_space<hbm>>
      %dma_wait3A_99 = tpu.memref_slice %arg7[%rem3A_88] : memref<4x!tpu.dma_semaphore, #tpu.memory_space<semaphore_mem>> -> memref<1x!tpu.dma_semaphore, #tpu.memory_space<semaphore_mem>>
      %dma_wait3A_100 = tpu.memref_squeeze %dma_wait3A_99 : memref<1x!tpu.dma_semaphore, #tpu.memory_space<semaphore_mem>> -> memref<!tpu.dma_semaphore, #tpu.memory_space<semaphore_mem>>
      %dma_wait3A_101 = arith.constant 0 : i32
      %dma_wait3A_102 = tpu.memref_slice %arg4[%mul3A_93, %dma_wait3A_101] : memref<500000x128xf32, #tpu.memory_space<hbm>> -> memref<200x128xf32, #tpu.memory_space<hbm>>
      %dma_wait3A_103 = arith.constant 0 : i32
      %dma_wait3A_104 = arith.constant 0 : i32
      %dma_wait3A_105 = tpu.memref_slice %arg5[%rem3A_88, %dma_wait3A_103, %dma_wait3A_104] : memref<4x200x128xf32, #tpu.memory_space<vmem>> -> memref<1x200x128xf32, #tpu.memory_space<vmem>>
      %dma_wait3A_106 = tpu.memref_squeeze %dma_wait3A_105 : memref<1x200x128xf32, #tpu.memory_space<vmem>> -> memref<200x128xf32, #tpu.memory_space<vmem>>
      tpu.wait_dma2 semaphore(%dma_wait3A_100 : memref<!tpu.dma_semaphore, #tpu.memory_space<semaphore_mem>>) src(%dma_wait3A_106 : memref<200x128xf32, #tpu.memory_space<vmem>>) dst(%dma_wait3A_102 : memref<200x128xf32, #tpu.memory_space<hbm>>)
    } else {
    }
    return
  }
}

module attributes {stable_mosaic.version = 14 : i64} {
  func.func @_tc_body(%arg0: i32, %arg1: memref<1024x128xf32, #tpu.memory_space<vmem>>, %arg2: memref<128x1024xf32, #tpu.memory_space<vmem>>, %arg3: memref<1x128xf32, #tpu.memory_space<vmem>>, %arg4: memref<1024x128xf32, #tpu.memory_space<vmem>>) attributes {dimension_semantics = [#tpu.dimension_semantics<arbitrary>], iteration_bounds = array<i64: 1>, scalar_prefetch = 0 : i64, scratch_operands = 0 : i64, tpu.core_type = #tpu.core_type<tc>, window_params = [{transform_indices = @transform_0, window_bounds = array<i64: 1024, 128>}, {pipeline_mode = #tpu.pipeline_mode<synchronous>, transform_indices = @transform_1, window_bounds = array<i64: 128, 1024>}, {pipeline_mode = #tpu.pipeline_mode<synchronous>, transform_indices = @transform_2, window_bounds = array<i64: 1, 128>}, {pipeline_mode = #tpu.pipeline_mode<synchronous>, transform_indices = @transform_3, window_bounds = array<i64: 1024, 128>}]} {
    %get3A = arith.constant 0 : index
    %get3A_0 = arith.constant 0 : index
    %get3A_1 = vector.load %arg1[%get3A, %get3A_0] : memref<1024x128xf32, #tpu.memory_space<vmem>>, vector<1024x128xf32>
    %get3A_2 = arith.constant 0 : index
    %get3A_3 = arith.constant 0 : index
    %get3A_4 = vector.load %arg3[%get3A_2, %get3A_3] : memref<1x128xf32, #tpu.memory_space<vmem>>, vector<1x128xf32>
    %sub3A = vector.broadcast %get3A_4 : vector<1x128xf32> to vector<1024x128xf32>
    %sub3A_5 = arith.subf %get3A_1, %sub3A : vector<1024x128xf32>
    %mul3A = arith.mulf %sub3A_5, %sub3A_5 : vector<1024x128xf32>
    %reduce_sum3A = arith.constant dense<0.000000e+00> : vector<1024xf32>
    %reduce_sum3A_6 = vector.multi_reduction <add>, %mul3A, %reduce_sum3A [1] : vector<1024x128xf32> to vector<1024xf32>
    %broadcast_in_dim3A = vector.shape_cast %reduce_sum3A_6 : vector<1024xf32> to vector<1024x1xf32>
    %mul3A_7 = arith.constant -0.00999999977 : f32
    %mul3A_8 = vector.broadcast %mul3A_7 : f32 to vector<1024x1xf32>
    %mul3A_9 = arith.mulf %mul3A_8, %broadcast_in_dim3A : vector<1024x1xf32>
    %exp3A = math.exp %mul3A_9 : vector<1024x1xf32>
    %mul3A_10 = arith.constant 1.000000e+00 : f32
    %mul3A_11 = vector.broadcast %mul3A_10 : f32 to vector<1024x1xf32>
    %mul3A_12 = arith.mulf %mul3A_11, %exp3A : vector<1024x1xf32>
    %get3A_13 = arith.constant 0 : index
    %get3A_14 = arith.constant 0 : index
    %get3A_15 = vector.load %arg2[%get3A_13, %get3A_14] : memref<128x1024xf32, #tpu.memory_space<vmem>>, vector<128x1024xf32>
    %dot_general3A = arith.constant dense<0.000000e+00> : vector<1024x1024xf32>
    %dot_general3A_16 = tpu.matmul %sub3A_5, %get3A_15, %dot_general3A {dimension_numbers = #tpu.dot_dimension_numbers<[1], [0], [0], [1], [0, 0, 1, 1], [], []>, transpose_lhs_hint = false} : vector<1024x128xf32>, vector<128x1024xf32>, vector<1024x1024xf32> -> vector<1024x1024xf32>
    %transpose3A = tpu.transpose %get3A_15, [1, 0] : vector<128x1024xf32> -> vector<1024x128xf32>
    %dot_general3A_17 = arith.constant dense<0.000000e+00> : vector<1024x128xf32>
    %dot_general3A_18 = tpu.matmul %dot_general3A_16, %transpose3A, %dot_general3A_17 {dimension_numbers = #tpu.dot_dimension_numbers<[1], [0], [0], [1], [0, 0, 1, 1], [], []>, transpose_lhs_hint = false} : vector<1024x1024xf32>, vector<1024x128xf32>, vector<1024x128xf32> -> vector<1024x128xf32>
    %add3A = vector.broadcast %get3A_4 : vector<1x128xf32> to vector<1024x128xf32>
    %add3A_19 = arith.addf %dot_general3A_18, %add3A : vector<1024x128xf32>
    %mul3A_20 = vector.broadcast %mul3A_12 : vector<1024x1xf32> to vector<1024x128xf32>
    %mul3A_21 = arith.mulf %add3A_19, %mul3A_20 : vector<1024x128xf32>
    %sub3A_22 = arith.constant 1.000000e+00 : f32
    %sub3A_23 = vector.broadcast %sub3A_22 : f32 to vector<1024x1xf32>
    %sub3A_24 = arith.subf %sub3A_23, %mul3A_12 : vector<1024x1xf32>
    %mul3A_25 = vector.broadcast %sub3A_24 : vector<1024x1xf32> to vector<1024x128xf32>
    %mul3A_26 = arith.mulf %get3A_1, %mul3A_25 : vector<1024x128xf32>
    %add3A_27 = arith.addf %mul3A_21, %mul3A_26 : vector<1024x128xf32>
    %swap3A = arith.constant 0 : index
    %swap3A_28 = arith.constant 0 : index
    %swap3A_29 = vector.load %arg4[%swap3A, %swap3A_28] : memref<1024x128xf32, #tpu.memory_space<vmem>>, vector<1024x128xf32>
    tpu.vector_store %arg4[%swap3A, %swap3A_28], %add3A_27 {strides = array<i32>} : memref<1024x128xf32, #tpu.memory_space<vmem>>, vector<1024x128xf32>,
    return
  }
  func.func @transform_0(%arg0: i32) -> (i32, i32) {
    %c0_i32 = arith.constant 0 : i32
    %c0_i32_0 = arith.constant 0 : i32
    %c0_i32_1 = arith.constant 0 : i32
    return %c0_i32, %c0_i32_0 : i32, i32
  }
  func.func @transform_1(%arg0: i32) -> (i32, i32) {
    %c0_i32 = arith.constant 0 : i32
    %c0_i32_0 = arith.constant 0 : i32
    %c0_i32_1 = arith.constant 0 : i32
    return %c0_i32, %c0_i32_0 : i32, i32
  }
  func.func @transform_2(%arg0: i32) -> (i32, i32) {
    %c0_i32 = arith.constant 0 : i32
    %c0_i32_0 = arith.constant 0 : i32
    %c0_i32_1 = arith.constant 0 : i32
    return %c0_i32, %c0_i32_0 : i32, i32
  }
  func.func @transform_3(%arg0: i32) -> (i32, i32) {
    %c0_i32 = arith.constant 0 : i32
    %c0_i32_0 = arith.constant 0 : i32
    %c0_i32_1 = arith.constant 0 : i32
    return %c0_i32, %c0_i32_0 : i32, i32
  }
}

</mosaic_0001>

<sc_bundles>
// kernel: kernel.4.cloned.1.call-start
scs
__scs_entry_jumppad:
0x0: {  	(pc) =	sbr.rel $0x88, $3  }
0x1: {  	(tag) =	ssettag $0x0;
	lr =	simm.s32 $0x1  }
0x2: {  	[smem:$0x3F9E] =	sst lr;
	_ =	strace $0xD0000000  }
0x3: {  	_ = 	snop  }
0x4: {  	_ = 	snop  }
0x5: {  	_ = 	snop  }
0x6: {  	_ = 	snop  }
0x7: {  	_ = 	snop  }
__scs_overlays_trampoline_lowered:
0x8: {  	[smem:$0x3FAD] =	sst s0  }
0x9: {  	[smem:$0x3FAE] =	sst s1  }
0xa: {  	[smem:$0x3FAF] =	sst s2  }
0xb: {  	[smem:$0x3FB0] =	sst s3  }
0xc: {  	[smem:$0x3FB1] =	sst s4  }
0xd: {  	[smem:$0x3FB2] =	sst s5  }
0xe: {  	[smem:$0x3FB3] =	sst s6  }
0xf: {  	[smem:$0x3FB4] =	sst s7  }
0x10: {  	[smem:$0x3FB5] =	sst s8  }
0x11: {  	[smem:$0x3FB6] =	sst s9;
	s0 =	simm.s32 @!p0 $0x0  }
0x12: {  	s1 =	sld [smem:$0x3F9C];
	s0 =	simm.s32 @p0 $0x1  }
0x13: {  	[smem:$0x3FB7] =	sst s0;
	s0 =	simm.s32 @!p1 $0x0  }
0x14: {  	s2 =	sld [smem:$0x3F9B];
	s0 =	simm.s32 @p1 $0x1  }
0x15: {  	[smem:$0x3FB8] =	sst s0;
	s0 =	simm.s32 @!p2 $0x0  }
0x16: {  	s3 =	sld [smem:$0x3FDB];
	s0 =	simm.s32 @p2 $0x1  }
0x17: {  	s4 =	simm.s32 $0x1BF5;
	[smem:$0x3FBA] =	sst s0  }
0x18: {  	s0 =	sld [smem:$0x3F9D];
	_ =	swait.ge [sflag:s4], $0x0  }
0x19: {  	s7 =	sld [smem:$0x3F9E]  }
0x1a: {  	s8 =	sadd.s32 $0xFFFFE003, lr  }
0x1b: {  	s9 =	sadd.s32 $0xFFFFFEF7, lr;
	s5 =	simm.s32 $0xFFFFFFFF;
	p2 =	slt.u32 s8, $0xFFFFF086  }
0x1c: {  	p1 =	slt.u32 s9, $0xF7A;
	s5 =	simm.s32 @!p2 $0x0  }
0x1d: {  	s5 =	simm.s32 @p1 $0x1;
	p0 =	seq.s32 s7, s2  }
0x1e: {  	s7 =	smul.u32 @!p0 $0xF7A, s2;
	p2 =	seq.s32 @!p0 s5, $0x0  }
0x1f: {  	s9 =	smul.u32 $0xF7A, s1;
	s8 =	simm.s32 @!p0 $0x1BF5;
	p2 =	por !p2, p0  }
0x20: {  	[sflag:s8] =	ssyncset.s32 @!p0 $0xFFFFF086;
	s6 =	sadd.s32 @!p0 s3, s7;
	s7 =	simm.s32 @!p0 $0x108  }
0x21: {  	s3 =	sadd.s32 s3, s9;
	s6 =	sadd.s32 @!p0 $0x88, s6;
	s7 =	simm.s32 @p2 $0x1082  }
0x22: {  	[simem:s7], [sflag:s8] =	dma.local @!p0 [hbm:s6], $0xF7A  }
0x23: {  	s9 =	sor.u32 $0xD0000000, s2;
	s6 =	simm.s32 $0x108;
	_ =	swait.ge @!p0 [sflag:s8], $0x0  }
0x24: {  	s3 =	sadd.s32 $0x88, s3;
	s6 =	simm.s32 @!p1 $0x1082;
	[sflag:s4] =	ssyncset.s32 $0xFFFFF086  }
0x25: {  	[simem:s6], [sflag:s4] =	dma.local [hbm:s3], $0xF7A  }
0x26: {  	[smem:$0x3F9E] =	sst s1;
	(tag) =	ssettag s2;
	_ =	strace s9  }
0x27: {  	s1 =	sld [smem:$0x3FAE]  }
0x28: {  	s2 =	sld [smem:$0x3FAF]  }
0x29: {  	s4 =	sld [smem:$0x3FB1]  }
0x2a: {  	p0 =	seq.s32 s5, $0x0;
	s5 =	sld [smem:$0x3FB2]  }
0x2b: {  	s6 =	sld [smem:$0x3FB3]  }
0x2c: {  	s7 =	sld [smem:$0x3FB4]  }
0x2d: {  	s3 =	simm.s32 $0x108;
	s8 =	sld [smem:$0x3FB5]  }
0x2e: {  	s3 =	simm.s32 @!p0 $0x1082;
	s9 =	sld [smem:$0x3FB6]  }
0x2f: {  	lr =	sadd.s32 s0, s3;
	s0 =	sld [smem:$0x3FAD]  }
0x30: {  	s3 =	sld [smem:$0x3FB0]  }
0x31: {  	[smem:$0x3FB9] =	sst s10  }
0x32: {  	s10 =	sld [smem:$0x3FB7];
	_ =	sdelay $0x3  }
0x33: {  	p0 =	seq.s32 s10, $0x1;
	s10 =	sld [smem:$0x3FB9];
	_ =	sdelay $0x3  }
0x34: {  	[smem:$0x3FB9] =	sst s10  }
0x35: {  	s10 =	sld [smem:$0x3FB8];
	_ =	sdelay $0x3  }
0x36: {  	p1 =	seq.s32 s10, $0x1;
	s10 =	sld [smem:$0x3FB9];
	_ =	sdelay $0x3  }
0x37: {  	[smem:$0x3FB9] =	sst s10  }
0x38: {  	s10 =	sld [smem:$0x3FBA]  }
0x39: {  	_ = 	snop;
	(pc) =	sbr.ind lr, $3  }
0x3a: {  	_ = 	snop  }
0x3b: {  	_ = 	snop  }
0x3c: {  	p2 =	seq.s32 s10, $0x1;
	s10 =	sld [smem:$0x3FB9]  }
0x3d: {  	_ =	shalt  }
0x3e: {  	_ =	shalt  }
0x3f: {  	_ =	shalt  }
0x40: {  	_ =	shalt  }
0x41: {  	_ =	shalt  }
0x42: {  	_ =	shalt  }
0x43: {  	_ =	shalt  }
0x44: {  	_ =	shalt  }
0x45: {  	_ =	shalt  }
0x46: {  	_ =	shalt  }
0x47: {  	_ =	shalt  }
0x48: {  	_ =	shalt  }
0x49: {  	_ =	shalt  }
0x4a: {  	_ =	shalt  }
0x4b: {  	_ =	shalt  }
0x4c: {  	_ =	shalt  }
0x4d: {  	_ =	shalt  }
0x4e: {  	_ =	shalt  }
0x4f: {  	_ =	shalt  }
0x50: {  	_ =	shalt  }
0x51: {  	_ =	shalt  }
0x52: {  	_ =	shalt  }
0x53: {  	_ =	shalt  }
0x54: {  	_ =	shalt  }
0x55: {  	_ =	shalt  }
0x56: {  	_ =	shalt  }
0x57: {  	_ =	shalt  }
0x58: {  	_ =	shalt  }
0x59: {  	_ =	shalt  }
0x5a: {  	_ =	shalt  }
0x5b: {  	_ =	shalt  }
0x5c: {  	_ =	shalt  }
0x5d: {  	_ =	shalt  }
0x5e: {  	_ =	shalt  }
0x5f: {  	_ =	shalt  }
0x60: {  	_ =	shalt  }
0x61: {  	_ =	shalt  }
0x62: {  	_ =	shalt  }
0x63: {  	_ =	shalt  }
0x64: {  	_ =	shalt  }
0x65: {  	_ =	shalt  }
0x66: {  	_ =	shalt  }
0x67: {  	_ =	shalt  }
0x68: {  	_ =	shalt  }
0x69: {  	_ =	shalt  }
0x6a: {  	_ =	shalt  }
0x6b: {  	_ =	shalt  }
0x6c: {  	_ =	shalt  }
0x6d: {  	_ =	shalt  }
0x6e: {  	_ =	shalt  }
0x6f: {  	_ =	shalt  }
0x70: {  	_ =	shalt  }
0x71: {  	_ =	shalt  }
0x72: {  	_ =	shalt  }
0x73: {  	_ =	shalt  }
0x74: {  	_ =	shalt  }
0x75: {  	_ =	shalt  }
0x76: {  	_ =	shalt  }
0x77: {  	_ =	shalt  }
0x78: {  	_ =	shalt  }
0x79: {  	_ =	shalt  }
0x7a: {  	_ =	shalt  }
0x7b: {  	_ =	shalt  }
0x7c: {  	_ =	shalt  }
0x7d: {  	_ =	shalt  }
0x7e: {  	_ =	shalt  }
0x7f: {  	_ =	shalt  }
0x80: {  	_ =	shalt  }
0x81: {  	_ =	shalt  }
0x82: {  	_ =	shalt  }
0x83: {  	_ =	shalt  }
0x84: {  	_ =	shalt  }
0x85: {  	_ =	shalt  }
0x86: {  	_ =	shalt  }
0x87: {  	_ =	shalt  }
.Lfunc_end0:
.L_simem_size_0:
called_computation_lowered:
.L_overlay_start_0:
0x88: {  	s2 =	sld [smem:$0x3FD9]  }
0x89: {  	s3 =	sld [smem:$0x3FFE];
	_ =	sdelay $0x1  }
0x8a: {  	s1 =	srdreg.scid  }
0x8b: {  	s0 =	sand.u32 $0x1, s1  }
0x8c: {  	s17 =	sshll.u32 s0, $0xA;
	s2 =	sadd.s32 s3, s2  }
0x8d: {  	s2 =	sadd.s32 s2, s17  }
0x8e: {  	[smem:$0x3FC5] =	sst s2  }
0x8f: {  	_ = 	snop  }
0x90: {  	s2 =	sld [smem:$0x3FC9]  }
0x91: {  	s18 =	sld [smem:$0x3FD0];
	(tm) =	ssettm $0x1  }
0x92: {  	s4 =	sld [smem:$0x3FFB];
	_ =	sdelay $0x3  }
0x93: {  	_ =	strace s4  }
0x94: {  	s4 =	sld [smem:$0x3FFC];
	_ =	sdelay $0x3  }
0x95: {  	_ =	strace s4  }
0x96: {  	s4 =	sld [smem:$0x3FFD];
	_ =	sdelay $0x3  }
0x97: {  	_ =	strace s4  }
0x98: {  	_ =	strace $0x8FFFFFFF  }
0x99: {  	s19 =	sld [smem:$0x3FDB];
	_ =	sdelay $0x1  }
0x9a: {  	s5 =	simm.s32 $_scs_section_size  }
0x9b: {  	s6 =	simm.s32 $_size__tile_overlayer_lowered;
	s7 =	simm.s32 $_tile_overlayer_lowered  }
0x9c: {  	s22 =	simm.s32 $0x1BFF;
	s21 =	sshll.u32 s7, $0x1;
	s4 =	sadd.s32 s5, s19  }
0x9d: {  	s8 =	simm.s32 $0x0;
	s20 =	sshll.u32 s6, $0x1;
	s6 =	sadd.s32 s21, s4  }
0x9e: {  	[timem:s8], [sflag:s22] =	dma.local [hbm:s6], s20  }
0x9f: {  	_ =	swait.ge [sflag:s22], s20  }
0xa0: {  	s5 =	ssub.s32 $0x0, s20;
	[sflag:s22] =	ssyncset.done $0x0  }
0xa1: {  	[sflag:s22] =	ssyncadd.s32 s5;
	_ =	sdelay $0x1  }
0xa2: {  	s23 =	simm.s32 $0x1B8B  }
0xa3: {  	_ =	swait.ge [sflag:s23], $0x1  }
0xa4: {  	[sflag:s23] =	ssyncset.done $0x0  }
0xa5: {  	s25 =	simm.s32 $0x1B8E;
	s24 =	sld [smem:$0x3FFE];
	[sflag:s23] =	ssyncadd.s32 $0xFFFFFFFF  }
0xa6: {  	s26 =	simm.s32 $execute0_lowered;
	[smem:$0x3FD2] =	sst s25  }
0xa7: {  	s6 =	sshll.u32 s26, $0x1;
	_ =	strace $0x80000046;
	[dreg:$0x1] =	wrdreg $0xFFFFFFFF  }
0xa8: {  	s28 =	simm.s32 $_size_execute0_lowered;
	s4 =	sadd.s32 s4, s6;
	[dreg:$0x0] =	wrdreg $0x0  }
0xa9: {  	s6 =	sshll.u32 s28, $0x1;
	[dreg:$0x2] =	wrdreg s4  }
0xaa: {  	[dreg:$0x3] =	wrdreg s6  }
0xab: {  	[dreg:$0x4] =	wrdreg $0xC0  }
0xac: {  	_ =	task [dreg:s8], $0x5FFFF  }
0xad: {  	[dreg:$0x1] =	wrdreg $0xFFFFFFFF  }
0xae: {  	[dreg:$0x0] =	wrdreg $0x60  }
0xaf: {  	[dreg:$0x2] =	wrdreg s2  }
0xb0: {  	[dreg:$0x3] =	wrdreg s24  }
0xb1: {  	[dreg:$0x4] =	wrdreg s18  }
0xb2: {  	[dreg:$0x5] =	wrdreg $0x9  }
0xb3: {  	_ =	task.clear_ibuf [dreg:s8], $0x6FFFF;
	_ =	strace $0x90000046  }
0xb4: {  	s29 =	simm.s32 $0x9;
	_ =	strace $0x80000048  }
0xb5: {  	_ =	swait.ge [sflag:s29], $0x1  }
0xb6: {  	[sflag:s29] =	ssyncadd.s32 $0xFFFFFFFF  }
0xb7: {  	_ =	strace $0x90000048  }
0xb8: {  	_ =	sfence  }
0xb9: {  	s30 =	sld [smem:$0x0];
	_ =	sdelay $0x2  }
0xba: {  	s31 =	sshll.u32 s1, $0xD;
	s1 =	sshrl.u32 s1, $0x2  }
0xbb: {  	s3 =	sand.u32 $0x4000, s31;
	s1 =	sadd.s32 s1, s30  }
0xbc: {  	s0 =	sor.u32 s3, s0;
	s1 =	sshll.u32 s1, $0x11  }
0xbd: {  	s0 =	sor.u32 s1, s0  }
0xbe: {  	s0 =	sadd.s32 $0x8F2B, s0  }
0xbf: {  	[sflag:s0] =	ssyncadd.remote.s32 $0x1  }
0xc0: {  	_ =	sfence.sel $0xFFFF  }
0xc1: {  	[dreg:$0x0] =	wrdreg $0xFFFFFFFF;
	(pc) =	sbr.abs _section_cstart, $3  }
0xc2: {  	[dreg:$0x1] =	wrdreg $0xFFFFFFFF  }
0xc3: {  	_ =	task.clear_ibuf [dreg:s8], $0x2FFFF;
	_ =	strace $0x9FFFFFFF  }
0xc4: {  	(tm) =	ssettm $0x7FFFFFFF  }
0xc5: {  	_ =	shalt  }
tec
execute0_lowered:
.L_overlay_start_1:
0x0: {  	(tag) =	ssettag $0x1  }
0x1: {  	s0 =	rddreg [dreg:$0x0]  }
0x2: {  	s1 =	srdreg.scid;
	s5 =	rddreg [dreg:$0x1]  }
0x3: {  	s21 =	stileid.u32;
	s2 =	rddreg [dreg:$0x2];
	s24 =	simm.s32 $0x1  }
0x4: {  	s25 =	simm.s32 $0x0;
	s1 =	sand.u32 $0x1, s1;
	s3 =	sshll.u32 s21, $0x1  }
0x5: {  	s26 =	sadd.s32 $0x4000, s0;
	s18 =	smul.u32 $0x1900, s21;
	s19 =	sor.u32 s1, s3  }
0x6: {  	s3 =	simm.s32 $0x0;
	s4 =	ssub.s32 $0x2, s1;
	s1 =	smul.u32 $0xC80, s1  }
0x7: {  	p2 =	slt.u32 s21, $0x3;
	s9 =	smul.u32 $0xC80, s19;
	[smem:$0x7FF] =	sst s3  }
0x8: {  	s6 =	sshrl.u32 s4, $0x1;
	s8 =	ssub.s32 $0x9E3, s19;
	s10 =	smul.u32 $0x6400, s19  }
0x9: {  	p0 =	sgt.u32 s19, $0x4;
	_ =	strace $0x80000047;
	s17 =	ssub.s32 s4, s6  }
0xa: {  	s4 =	sshrl.u32 s8, $0x5;
	[dreg:$0x5] =	wrdreg s26;
	p1 =	sne.s32 @p0 s19, $0x5  }
0xb: {  	s7 =	sadd.s32 s9, s5;
	s5 =	sadd.s32 $0x4880, s5;
	s8 =	sadd.s32 $0xC8000, s10  }
0xc: {  	s29 =	sadd.s32 s0, s9;
	s20 =	sshrl.u32 s10, $0x3;
	s12 =	sadd.s32 $0x1, s4  }
0xd: {  	s15 =	sand.u32 $0x3, s4;
	s14 =	sadd.s32 $0xFFFFFFFF, s4;
	s17 =	smax.u32 s17, $0x1  }
0xe: {  	p1 =	por p1, !p0;
	[dreg:$0x4] =	wrdreg s5;
	s28 =	sadd.s32 $0xA00, s7  }
0xf: {  	[dreg:$0x7] =	wrdreg s29;
	s30 =	sshrl.u32 s8, $0x3;
	s31 =	sadd.s32 s0, s20  }
0x10: {  	s13 =	sand.u32 $0x3, s12;
	s12 =	sadd.s32 $0x5, s15;
	s15 =	sxor.u32 $0x2, s15  }
0x11: {  	s16 =	sand.u32 $0x3, s14;
	s19 =	sadd.s32 s2, s20;
	[dreg:$0x6] =	wrdreg s28  }
0x12: {  	s10 =	sadd.s32 s0, s30;
	s11 =	sadd.s32 $0x32000, s31;
	s0 =	sadd.s32 s18, s0  }
0x13: {  	s13 =	sadd.s32 $0x5, s13;
	s15 =	sadd.s32 $0x5, s15;
	s0 =	sadd.s32 s1, s0  }
0x14: {  	s16 =	sadd.s32 $0x5, s16;
	s18 =	sadd.s32 $0x4B000, s31;
	s20 =	sadd.s32 $0x64000, s0  }
.LBB2_1:
0x15: {  	s0 =	simm.s32 @!p1 $0x0;
	s1 =	rddreg [dreg:$0x4]  }
0x16: {  	[tilespmem:s0], [sflag:$0x1] =	stream.linear.gather @!p1 [hbm4b:s1+s0], $0xC00, $0x38;
	[tilespmem:$0x19000] =	vst v63  }
0x17: {  	s5 =	rddreg [dreg:$0x5];
	s1 =	simm.s32 @!p1 $0xC00  }
0x18: {  	[tilespmem:s1], [sflag:$0x1] =	stream.linear.gather @!p1 [hbm4b:s5+s0], $0x5800, $0x38;
	[tilespmem:$0x19000] =	vst v63  }
0x19: {  	s0 =	simm.s32 @!p0 $0x0;
	s1 =	rddreg [dreg:$0x6]  }
0x1a: {  	[tilespmem:s0], [sflag:$0x1] =	stream.linear.gather @!p0 [hbm4b:s1+s0], $0x6400, $0x38;
	[tilespmem:$0x19000] =	vst v63  }
0x1b: {  	s0 =	simm.s32 @!p2 $0x0;
	s1 =	rddreg [dreg:$0x7]  }
0x1c: {  	[tilespmem:s0], [sflag:$0x1] =	stream.linear.gather @!p2 [hbm4b:s1+s0], $0x6400, $0x38;
	[tilespmem:$0x19000] =	vst v63  }
0x1d: {  	s26 =	simm.s32 $0x6400  }
0x1e: {  	[tilespmem:s26], [sflag:$0x2] =	stream.linear.gather [hbm4b:s10+s3], $0x6400, $0x38;
	[tilespmem:$0x19000] =	vst v63  }
0x1f: {  	s28 =	simm.s32 $0xC800  }
0x20: {  	[tilespmem:s28], [sflag:$0x3] =	stream.linear.gather [hbm4b:s11+s3], $0x6400, $0x38;
	[tilespmem:$0x19000] =	vst v63  }
0x21: {  	s29 =	simm.s32 $0x12C00;
	p4 =	sne.s32 s14, $0x1  }
0x22: {  	[tilespmem:s29], [sflag:$0x4] =	stream.linear.gather [hbm4b:s18+s3], $0x6400, $0x38;
	[tilespmem:$0x19000] =	vst v63  }
.Ltmp0:
0x23: {  	_ = 	snop;
	(pc) =	sbr.rel @!p4 .LBB2_2-.Ltmp0, $4  }
0x24: {  	s31 =	simm.s32 $0x1;
	_ =	swait.ge [sflag:s24], $0x6400  }
0x25: {  	s30 =	simm.s32 $0x4;
	s0 =	sand.u32 $0x3, s31;
	[sflag:s24] =	ssyncset.done $0x0  }
0x26: {  	p3 =	por $0x0, $0x0;
	s21 =	smul.u32 $0x19000, s0;
	[sflag:s24] =	ssyncadd.s32 $0xFFFF9C00  }
0x27: {  	[hbm4b:s19+s3] =	stream.linear.scatter [tilespmem:s3], [sflag:$0x5], $0x6400, $0x38;
	[tilespmem:$0x19000] =	vst v63  }
0x28: {  	p3 =	sle.u32 s4, $0x4;
	s29 =	simm.s32 $0x2;
	s23 =	sadd.s32 $0x1, s0  }
0x29: {  	p4 =	sne.s32 s14, $0x2;
	s26 =	sadd.s32 $0xC8000, s8;
	s1 =	sand.u32 @!p3 $0x3, s30  }
0x2a: {  	s28 =	sadd.s32 $0x19000, s20;
	s5 =	sadd.s32 @!p3 $0x5, s1;
	s22 =	smul.u32 @!p3 $0x19000, s1  }
0x2b: {  	s9 =	sshrl.u32 s8, $0x3;
	s31 =	sand.u32 $0x3, s29;
	_ =	swait.ge @!p3 [sflag:s5], $0x6400  }
0x2c: {  	s1 =	sadd.s32 @!p3 $0x1, s1;
	[sflag:s5] =	ssyncset.done @!p3 $0x0;
	s22 =	sshrl.u32 @!p3 s22, $0x2  }
.Ltmp1:
0x2d: {  	[sflag:s5] =	ssyncadd.s32 @!p3 $0xFFFF9C00;
	s5 =	simm.s32 @!p3 $0x0;
	(pc) =	sbr.rel @!p4 .LBB2_4-.Ltmp1, $4  }
0x2e: {  	[tilespmem:s22], [sflag:s1] =	stream.linear.gather @!p3 [hbm4b:s20+s5], $0x6400, $0x38;
	[tilespmem:$0x19000] =	vst v63  }
0x2f: {  	s30 =	simm.s32 $0x5;
	s1 =	smul.u32 $0x19000, s31;
	_ =	swait.ge [sflag:s23], $0x6400  }
0x30: {  	s22 =	sadd.s32 $0x5, s0;
	s5 =	sshrl.u32 s21, $0x2;
	[sflag:s23] =	ssyncset.done $0x0  }
0x31: {  	p3 =	por $0x1, $0x1;
	[sflag:s23] =	ssyncadd.s32 $0xFFFF9C00;
	s23 =	sadd.s32 s2, s9  }
.LBB2_5:
0x32: {  	[hbm4b:s23+s3] =	stream.linear.scatter [tilespmem:s5], [sflag:s22], $0x6400, $0x38;
	[tilespmem:$0x19000] =	vst v63  }
0x33: {  	s0 =	smov.u32 s31;
	s5 =	smov.u32 s1;
	s21 =	smov.u32 s26  }
0x34: {  	s22 =	sadd.s32 $0x4, s29;
	s29 =	sadd.s32 $0x1, s29;
	p5 =	sge.u32 s30, s4  }
0x35: {  	s31 =	sand.u32 $0x3, s29;
	p4 =	sne.s32 s14, s29;
	s1 =	sand.u32 @!p5 $0x3, s30  }
0x36: {  	s23 =	sadd.s32 @!p5 $0x5, s1;
	s6 =	smul.u32 @!p5 $0x19000, s1;
	s7 =	sadd.s32 @!p5 $0x1, s1  }
0x37: {  	s30 =	smov.u32 s22;
	s1 =	smul.u32 $0x19000, s31;
	_ =	swait.ge @!p5 [sflag:s23], $0x6400  }
0x38: {  	s9 =	sadd.s32 $0x1, s0;
	s6 =	sshrl.u32 @!p5 s6, $0x2;
	[sflag:s23] =	ssyncset.done @!p5 $0x0  }
.Ltmp2:
0x39: {  	s22 =	simm.s32 @!p5 $0x0;
	[sflag:s23] =	ssyncadd.s32 @!p5 $0xFFFF9C00;
	(pc) =	sbr.rel @p4 .LBB2_5-.Ltmp2, $4  }
0x3a: {  	[tilespmem:s6], [sflag:s7] =	stream.linear.gather @!p5 [hbm4b:s28+s22], $0x6400, $0x38;
	[tilespmem:$0x19000] =	vst v63  }
0x3b: {  	s26 =	sadd.s32 $0xC8000, s26;
	s28 =	sadd.s32 $0x19000, s28;
	_ =	swait.ge [sflag:s9], $0x6400  }
0x3c: {  	s22 =	sadd.s32 $0x5, s0;
	s0 =	sshrl.u32 s21, $0x3;
	[sflag:s9] =	ssyncset.done $0x0  }
0x3d: {  	s5 =	sshrl.u32 s5, $0x2;
	s23 =	sadd.s32 s2, s0;
	[sflag:s9] =	ssyncadd.s32 $0xFFFF9C00  }
0x3e: {  	s0 =	smov.u32 s31;
	s21 =	smov.u32 s1  }
.LBB2_7:
0x3f: {  	[hbm4b:s23+s3] =	stream.linear.scatter @p3 [tilespmem:s5], [sflag:s22], $0x6400, $0x38;
	[tilespmem:$0x19000] =	vst v63  }
0x40: {  	p3 =	sge.u32 s30, s4  }
0x41: {  	s1 =	sand.u32 @!p3 $0x3, s30  }
0x42: {  	s5 =	sadd.s32 @!p3 $0x5, s1  }
0x43: {  	s6 =	smul.u32 @!p3 $0x19000, s1;
	_ =	swait.ge @!p3 [sflag:s5], $0x6400  }
0x44: {  	s7 =	sadd.s32 $0x1, s0;
	s1 =	sadd.s32 @!p3 $0x1, s1;
	[sflag:s5] =	ssyncset.done @!p3 $0x0  }
0x45: {  	s6 =	sshrl.u32 @!p3 s6, $0x2;
	[sflag:s5] =	ssyncadd.s32 @!p3 $0xFFFF9C00;
	s5 =	simm.s32 @!p3 $0x0  }
0x46: {  	[tilespmem:s6], [sflag:s1] =	stream.linear.gather @!p3 [hbm4b:s28+s5], $0x6400, $0x38;
	[tilespmem:$0x19000] =	vst v63  }
0x47: {  	_ =	swait.ge [sflag:s7], $0x6400  }
0x48: {  	s29 =	sadd.s32 $0x5, s0;
	s30 =	sshrl.u32 s26, $0x3;
	[sflag:s7] =	ssyncset.done $0x0  }
0x49: {  	s31 =	sshrl.u32 s21, $0x2;
	s1 =	sadd.s32 s2, s30;
	[sflag:s7] =	ssyncadd.s32 $0xFFFF9C00  }
0x4a: {  	[hbm4b:s1+s3] =	stream.linear.scatter [tilespmem:s31], [sflag:s29], $0x6400, $0x38;
	[tilespmem:$0x19000] =	vst v63  }
0x4b: {  	_ =	swait.ge [sflag:s12], $0x6400  }
0x4c: {  	[sflag:s12] =	ssyncset.done $0x0  }
0x4d: {  	[sflag:s12] =	ssyncadd.s32 $0xFFFF9C00  }
0x4e: {  	_ =	swait.ge [sflag:s13], $0x6400  }
0x4f: {  	[sflag:s13] =	ssyncset.done $0x0  }
0x50: {  	s25 =	sadd.s32 $0x1, s25;
	[sflag:s13] =	ssyncadd.s32 $0xFFFF9C00  }
0x51: {  	p3 =	sne.s32 s25, s17;
	_ =	swait.ge [sflag:s15], $0x6400  }
.Ltmp3:
0x52: {  	[sflag:s15] =	ssyncset.done $0x0;
	(pc) =	sbr.rel @p3 .LBB2_1-.Ltmp3, $4  }
.Ltmp4:
0x53: {  	[sflag:s15] =	ssyncadd.s32 $0xFFFF9C00;
	(pc) =	sbr.rel @!p3 .LBB2_8-.Ltmp4, $4  }
0x54: {  	_ =	swait.ge [sflag:s16], $0x6400  }
0x55: {  	[sflag:s16] =	ssyncset.done $0x0  }
0x56: {  	[sflag:s16] =	ssyncadd.s32 $0xFFFF9C00  }
0x57: {  	_ = 	snop  }
.LBB2_2:
.Ltmp5:
0x58: {  	(pc) =	sbr.rel .LBB2_7-.Ltmp5, $2  }
0x59: {  	_ =	sdelay $0x2  }
0x5a: {  	s26 =	smov.u32 s8;
	s28 =	smov.u32 s20  }
.LBB2_4:
.Ltmp6:
0x5b: {  	(pc) =	sbr.rel .LBB2_7-.Ltmp6, $2  }
0x5c: {  	_ =	sdelay $0x2  }
0x5d: {  	s0 =	smov.u32 s31;
	s21 =	smov.u32 s1;
	s30 =	simm.s32 $0x5  }
.LBB2_8:
0x5e: {  	_ =	sfence.sel $0x180000  }
0x5f: {  	[bflag:$0x0] =	sbarrier.arrive $0xFFFF  }
0x60: {  	_ =	strace $0x90000047  }
0x61: {  	s0 =	stileid.u32;
	[bflag:$0x2] =	sbarrier.arrive $0xFFFF  }
0x62: {  	p0 =	sne.s32 s0, $0x0;
	s0 =	rddreg [dreg:$0x3]  }
0x63: {  	s0 =	sadd.s32 @!p0 $0x100000, s0  }
0x64: {  	[sflag:s0] =	ssyncadd.tile.s32 @!p0 $0x1;
	_ =	shalt  }
.Lfunc_end2:
_tile_overlayer_lowered:
.L_overlay_start_2:
0x65: {  	(tag) =	ssettag $0x2  }
0x66: {  	s0 =	rddreg [dreg:$0x0];
	s2 =	stileid.u32  }
0x67: {  	s1 =	rddreg [dreg:$0x1];
	p0 =	sne.s32 s2, $0x0  }
0x68: {  	s3 =	rddreg [dreg:$0x2];
	[bflag:$0x3] =	sbarrier.arrive $0xFFFF;
	s2 =	simm.s32 @!p0 $0x1C09  }
0x69: {  	[timem:s3], [sflag:s2] =	dma.local @!p0 [hbm:s0], s1  }
0x6a: {  	s0 =	simm.s32 @!p0 $0x9  }
0x6b: {  	_ =	swait.ge @!p0 [sflag:s0], s1  }
0x6c: {  	s1 =	ssub.s32 @!p0 $0x0, s1;
	[sflag:s0] =	ssyncset.done @!p0 $0x0  }
0x6d: {  	[sflag:s0] =	ssyncadd.s32 @!p0 s1  }
0x6e: {  	[bflag:$0x3] =	sbarrier.arrive $0xFFFF  }
0x6f: {  	_ =	shalt  }

</sc_bundles>
